<compile_context>
chip_gen: v7x
topology: tpu7x:2x2x1
jax: 0.10.2.dev20260603
libtpu: 0.0.44.dev20260713+nightly
codegen_flags: <defaults>
</compile_context>

<pallas_src>
import jax
import jax.numpy as jnp
from jax import lax
from jax.experimental import pallas as pl
from jax.experimental.pallas import tpu as pltpu
from jax.experimental.pallas import tpu_sc as plsc

N_NODES = 10000
NFEAT = 256
NHID = 256
E = 160000
NC = 2
NS = 16
L = 16
HALF = NHID // 2
CHUNK = 128
N_CHUNKS = E // CHUNK
ROWS_PER_SUB = 624
TAIL_START = NS * ROWS_PER_SUB
TAIL_ROWS = N_NODES - TAIL_START

_sc_mesh = plsc.VectorSubcoreMesh(core_axis_name="c", subcore_axis_name="s")


def _copy_rows(sid, src_at, dst_at):
    pltpu.sync_copy(src_at(sid * ROWS_PER_SUB, ROWS_PER_SUB),
                    dst_at(sid * ROWS_PER_SUB, ROWS_PER_SUB))

    @pl.when(sid == NS - 1)
    def _():
        pltpu.sync_copy(src_at(TAIL_START, TAIL_ROWS),
                        dst_at(TAIL_START, TAIL_ROWS))


DW = 128


def _deg_body(dst_hbm, zeros_hbm, ones_hbm, out_hbm, ib0, ib1, ones_v,
              deg_sh, isem0, isem1):
    cid = lax.axis_index("c")
    sid = lax.axis_index("s")
    _copy_rows(sid, lambda o, n: zeros_hbm.at[pl.ds(o, n)],
               lambda o, n: deg_sh.at[pl.ds(o, n)])
    pltpu.sync_copy(ones_hbm, ones_v)
    plsc.subcore_barrier()

    hc = N_CHUNKS // NC
    n = (hc - sid + NS - 1) // NS
    ibs, isems = (ib0, ib1), (isem0, isem1)

    def col(i):
        return (cid * hc + sid + i * NS) * CHUNK

    def issue(i, s):
        @pl.when(i < n)
        def _():
            pltpu.async_copy(dst_hbm.at[pl.ds(col(i), CHUNK)],
                             ibs[s], isems[s])

    def step(i, s):
        @pl.when(i < n)
        def _():
            pltpu.make_async_copy(dst_hbm.at[pl.ds(col(i), CHUNK)],
                                  ibs[s], isems[s]).wait()

        @pl.when((i >= 1) & (i - 1 < n))
        def _():
            pltpu.sync_copy(ones_v, deg_sh.at[ibs[1 - s]], add=True)
            issue(i + 1, 1 - s)

    issue(0, 0)
    issue(1, 1)

    @pl.loop(0, 21)
    def _(k):
        step(k * 2, 0)
        step(k * 2 + 1, 1)

    plsc.subcore_barrier()
    _copy_rows(sid, lambda o, n: deg_sh.at[pl.ds(o, n)],
               lambda o, n: out_hbm.at[cid].at[pl.ds(o, n)])


def _degree_parts(dst):
    zeros = jnp.zeros((N_NODES, DW), jnp.float32)
    ones = jnp.ones((CHUNK, DW), jnp.float32)
    k = pl.kernel(
        _deg_body,
        out_type=jax.ShapeDtypeStruct((NC, N_NODES, DW), jnp.float32),
        mesh=_sc_mesh,
        scratch_types=[
            pltpu.VMEM((CHUNK,), jnp.int32),
            pltpu.VMEM((CHUNK,), jnp.int32),
            pltpu.VMEM((CHUNK, DW), jnp.float32),
            pltpu.VMEM_SHARED((N_NODES, DW), jnp.float32),
            pltpu.SemaphoreType.DMA,
            pltpu.SemaphoreType.DMA,
        ],
    )
    return k(dst, zeros, ones)


_MM_R = 2000


def _mm_body(x_ref, dinv_ref, w_ref, o_ref):
    xs = x_ref[...] * dinv_ref[...]
    o_ref[0] = lax.dot_general(
        xs, w_ref[...], (((1,), (0,)), ((), ())),
        precision=lax.Precision.HIGHEST, preferred_element_type=jnp.float32)


def _matmul_halves(x, dinv2, W):
    return pl.pallas_call(
        _mm_body,
        grid=(N_NODES // _MM_R, NC),
        in_specs=[
            pl.BlockSpec((_MM_R, NFEAT), lambda i, j: (i, 0)),
            pl.BlockSpec((_MM_R, 1), lambda i, j: (i, 0)),
            pl.BlockSpec((NFEAT, HALF), lambda i, j: (0, j)),
        ],
        out_specs=pl.BlockSpec((1, _MM_R, HALF), lambda i, j: (j, i, 0)),
        out_shape=jax.ShapeDtypeStruct((NC, N_NODES, HALF), jnp.float32),
    )(x, dinv2, W)


def _scatter_body(h2_hbm, eidx_hbm, out_hbm, sb0, sb1, db0, db1,
                  rows0, rows1, acc_sh,
                  ssem0, ssem1, dsem0, dsem1, gsem0, gsem1):
    cid = lax.axis_index("c")
    sid = lax.axis_index("s")
    _copy_rows(sid, lambda o, n: h2_hbm.at[cid].at[pl.ds(o, n)],
               lambda o, n: acc_sh.at[pl.ds(o, n)])
    plsc.subcore_barrier()

    n = (N_CHUNKS - sid + NS - 1) // NS
    sbs, ssems = (sb0, sb1), (ssem0, ssem1)
    dbs, dsems = (db0, db1), (dsem0, dsem1)
    rows, gsems = (rows0, rows1), (gsem0, gsem1)

    def col(i):
        return (sid + i * NS) * CHUNK

    def issue_idx(i, s):
        @pl.when(i < n)
        def _():
            pltpu.async_copy(eidx_hbm.at[pl.ds(col(i), CHUNK)],
                             sbs[s], ssems[s])
            pltpu.async_copy(eidx_hbm.at[pl.ds(E + col(i), CHUNK)],
                             dbs[s], dsems[s])

    def step(i, s):
        @pl.when(i < n)
        def _():
            pltpu.make_async_copy(eidx_hbm.at[pl.ds(col(i), CHUNK)],
                                  sbs[s], ssems[s]).wait()
            pltpu.async_copy(h2_hbm.at[cid].at[sbs[s]],
                             rows[s], gsems[s])

        @pl.when((i >= 1) & (i - 1 < n))
        def _():
            pltpu.make_async_copy(h2_hbm.at[cid].at[sbs[1 - s]],
                                  rows[1 - s], gsems[1 - s]).wait()
            pltpu.make_async_copy(eidx_hbm.at[pl.ds(E + col(i - 1), CHUNK)],
                                  dbs[1 - s], dsems[1 - s]).wait()
            pltpu.sync_copy(rows[1 - s], acc_sh.at[dbs[1 - s]],
                            add=True)
            issue_idx(i + 1, 1 - s)

    issue_idx(0, 0)
    issue_idx(1, 1)

    @pl.loop(0, 40)
    def _(k):
        step(k * 2, 0)
        step(k * 2 + 1, 1)

    plsc.subcore_barrier()
    _copy_rows(sid, lambda o, n: acc_sh.at[pl.ds(o, n)],
               lambda o, n: out_hbm.at[cid].at[pl.ds(o, n)])


def _gather_scatter(h2, eidx):
    k = pl.kernel(
        _scatter_body,
        out_type=jax.ShapeDtypeStruct((NC, N_NODES, HALF), jnp.float32),
        mesh=_sc_mesh,
        scratch_types=[
            pltpu.VMEM((CHUNK,), jnp.int32),
            pltpu.VMEM((CHUNK,), jnp.int32),
            pltpu.VMEM((CHUNK,), jnp.int32),
            pltpu.VMEM((CHUNK,), jnp.int32),
            pltpu.VMEM((CHUNK, HALF), jnp.float32),
            pltpu.VMEM((CHUNK, HALF), jnp.float32),
            pltpu.VMEM_SHARED((N_NODES, HALF), jnp.float32),
            pltpu.SemaphoreType.DMA,
            pltpu.SemaphoreType.DMA,
            pltpu.SemaphoreType.DMA,
            pltpu.SemaphoreType.DMA,
            pltpu.SemaphoreType.DMA,
            pltpu.SemaphoreType.DMA,
        ],
    )
    return k(h2, eidx)


_EP_R = 2000


def _ep_body(acc_ref, dinv_ref, b_ref, o_ref):
    a = jnp.concatenate([acc_ref[0], acc_ref[1]], axis=1)
    o_ref[...] = jnp.maximum(a * dinv_ref[...] + b_ref[...], 0.0)


def _epilogue(acc, dinv2, b2):
    return pl.pallas_call(
        _ep_body,
        grid=(N_NODES // _EP_R,),
        in_specs=[
            pl.BlockSpec((NC, _EP_R, HALF), lambda i: (0, i, 0)),
            pl.BlockSpec((_EP_R, 1), lambda i: (i, 0)),
            pl.BlockSpec((1, NHID), lambda i: (0, 0)),
        ],
        out_specs=pl.BlockSpec((_EP_R, NHID), lambda i: (i, 0)),
        out_shape=jax.ShapeDtypeStruct((N_NODES, NHID), jnp.float32),
    )(acc, dinv2, b2)


def kernel(x, edge_index, W, b):
    eidx = edge_index.astype(jnp.int32).reshape(-1)

    deg_parts = _degree_parts(edge_index[1].astype(jnp.int32))
    deg = deg_parts[:, :, 0].sum(axis=0) + 1.0
    dinv2 = (deg ** -0.5)[:, None]
    h2 = _matmul_halves(x, dinv2, W)
    acc = _gather_scatter(h2, eidx)
    return _epilogue(acc, dinv2, b.reshape(1, NHID))

# --- scband reference (transcript-rebuilt; emitter-appended) ---
"""Pipeline reference for scband-gcnbody-edit-5085241279103 (READ-ONLY COPY).

The authoritative reference and input builder live on the scoring server;
editing this copy changes nothing except your own understanding.
"""

import jax, jax.numpy as jnp
import numpy as np

N_NODES = 10000
NFEAT = 256
NHID = 256


def setup_inputs(seed: int = 0) -> dict:
    key = jax.random.key(seed)
    k1, k2, k3, k4 = jax.random.split(key, 4)
    x = jax.random.normal(k1, (N_NODES, NFEAT), dtype=jnp.float32)
    edge_index = jax.random.randint(k2, (2, 160000), 0, N_NODES, dtype=jnp.int64)
    # GCNConv learned params (glorot init for weight, zeros for bias)
    limit = (6.0 / (NFEAT + NHID)) ** 0.5
    W = jax.random.uniform(k3, (NFEAT, NHID), dtype=jnp.float32, minval=-limit, maxval=limit)
    b = jnp.zeros((NHID,), dtype=jnp.float32)
    return {"x": x, "edge_index": edge_index, "W": W, "b": b}


def reference(x, edge_index, W, b):
    N = x.shape[0]
    # --- GCNConv (PyG semantics): add self-loops, symmetric normalization ---
    self_loops = jnp.arange(N, dtype=edge_index.dtype)
    src = jnp.concatenate([edge_index[0], self_loops])
    dst = jnp.concatenate([edge_index[1], self_loops])
    # degree computed on destination nodes (in-degree incl. self-loops)
    deg = jnp.zeros((N,), dtype=x.dtype).at[dst].add(1.0)
    deg_inv_sqrt = jnp.where(deg > 0, deg ** -0.5, 0.0)
    norm = deg_inv_sqrt[src] * deg_inv_sqrt[dst]
    # linear transform, then gather messages from src and scatter-add to dst
    h = x @ W
    msg = h[src] * norm[:, None]
    out = jnp.zeros((N, h.shape[1]), dtype=h.dtype).at[dst].add(msg)
    out = out + b
    # --- activation (ReLU); dropout is identity at inference ---
    out = jax.nn.relu(out)
    return out

if __name__ == "__main__":
    import jax
    _d = setup_inputs()
    print(jax.jit(kernel)(*tuple(_d.values())))

</pallas_src>

<mosaic_0001>
#map = affine_map<(d0, d1) -> (0, 0, 0)>
#map1 = affine_map<(d0, d1) -> (0)>
module attributes {stable_mosaic.version = 14 : i64} {
  func.func @_scatter_body(%arg0: i32, %arg1: i32, %arg2: memref<2x10000x128xf32, #tpu.memory_space<hbm>>, %arg3: memref<320000xi32, #tpu.memory_space<hbm>>, %arg4: memref<2x10000x128xf32, #tpu.memory_space<hbm>>, %arg5: memref<128xi32, #tpu.memory_space<vmem>>, %arg6: memref<128xi32, #tpu.memory_space<vmem>>, %arg7: memref<128xi32, #tpu.memory_space<vmem>>, %arg8: memref<128xi32, #tpu.memory_space<vmem>>, %arg9: memref<128x128xf32, #tpu.memory_space<vmem>>, %arg10: memref<128x128xf32, #tpu.memory_space<vmem>>, %arg11: memref<10000x128xf32, #tpu.memory_space<vmem_shared>>, %arg12: memref<!tpu.dma_semaphore, #tpu.memory_space<semaphore_mem>>, %arg13: memref<!tpu.dma_semaphore, #tpu.memory_space<semaphore_mem>>, %arg14: memref<!tpu.dma_semaphore, #tpu.memory_space<semaphore_mem>>, %arg15: memref<!tpu.dma_semaphore, #tpu.memory_space<semaphore_mem>>, %arg16: memref<!tpu.dma_semaphore, #tpu.memory_space<semaphore_mem>>, %arg17: memref<!tpu.dma_semaphore, #tpu.memory_space<semaphore_mem>>) attributes {dimension_semantics = [#tpu.dimension_semantics<core_parallel>, #tpu.dimension_semantics<subcore_parallel>], iteration_bounds = array<i64: 2, 16>, scalar_prefetch = 0 : i64, scratch_operands = 13 : i64, tpu.core_type = #tpu.core_type<sc_vector_subcore>, window_params = [{transform_indices = #map}, {transform_indices = #map1}, {transform_indices = #map}]} {
    %mul3A = arith.constant 624 : i32
    %mul3A_0 = arith.muli %arg1, %mul3A : i32
    %mul3A_1 = arith.constant 624 : i32
    %mul3A_2 = arith.muli %arg1, %mul3A_1 : i32
    "tpu.region"() ({
      %run_scoped3A = tpu.sem_alloc : memref<!tpu.dma_semaphore, #tpu.memory_space<semaphore_mem>>
      %dma_start3A = arith.constant 0 : i32
      %dma_start3A_49 = tpu.memref_slice %arg11[%mul3A_2, %dma_start3A] : memref<10000x128xf32, #tpu.memory_space<vmem_shared>> -> memref<624x128xf32, #tpu.memory_space<vmem_shared>>
      %dma_start3A_50 = arith.constant 0 : i32
      %dma_start3A_51 = arith.constant 0 : i32
      %dma_start3A_52 = tpu.memref_slice %arg2[%arg0, %dma_start3A_50, %dma_start3A_51] : memref<2x10000x128xf32, #tpu.memory_space<hbm>> -> memref<1x10000x128xf32, #tpu.memory_space<hbm>>
      %dma_start3A_53 = tpu.memref_squeeze %dma_start3A_52 : memref<1x10000x128xf32, #tpu.memory_space<hbm>> -> memref<10000x128xf32, #tpu.memory_space<hbm>>
      %dma_start3A_54 = arith.constant 0 : i32
      %dma_start3A_55 = tpu.memref_slice %dma_start3A_53[%mul3A_0, %dma_start3A_54] : memref<10000x128xf32, #tpu.memory_space<hbm>> -> memref<624x128xf32, #tpu.memory_space<hbm>>
      tpu.enqueue_dma source(%dma_start3A_55 : memref<624x128xf32, #tpu.memory_space<hbm>>) target(%dma_start3A_49 : memref<624x128xf32, #tpu.memory_space<vmem_shared>>) target_semaphore(%run_scoped3A : memref<!tpu.dma_semaphore, #tpu.memory_space<semaphore_mem>>)
      %dma_wait3A = arith.constant 0 : i32
      %dma_wait3A_56 = tpu.memref_slice %arg11[%mul3A_2, %dma_wait3A] : memref<10000x128xf32, #tpu.memory_space<vmem_shared>> -> memref<624x128xf32, #tpu.memory_space<vmem_shared>>
      %dma_wait3A_57 = arith.constant 0 : i32
      %dma_wait3A_58 = arith.constant 0 : i32
      %dma_wait3A_59 = tpu.memref_slice %arg2[%arg0, %dma_wait3A_57, %dma_wait3A_58] : memref<2x10000x128xf32, #tpu.memory_space<hbm>> -> memref<1x10000x128xf32, #tpu.memory_space<hbm>>
      %dma_wait3A_60 = tpu.memref_squeeze %dma_wait3A_59 : memref<1x10000x128xf32, #tpu.memory_space<hbm>> -> memref<10000x128xf32, #tpu.memory_space<hbm>>
      %dma_wait3A_61 = arith.constant 0 : i32
      %dma_wait3A_62 = tpu.memref_slice %dma_wait3A_60[%mul3A_0, %dma_wait3A_61] : memref<10000x128xf32, #tpu.memory_space<hbm>> -> memref<624x128xf32, #tpu.memory_space<hbm>>
      tpu.wait_dma2 semaphore(%run_scoped3A : memref<!tpu.dma_semaphore, #tpu.memory_space<semaphore_mem>>) src(%dma_wait3A_62 : memref<624x128xf32, #tpu.memory_space<hbm>>) dst(%dma_wait3A_56 : memref<624x128xf32, #tpu.memory_space<vmem_shared>>)
      tpu.yield
    }) : () -> ()
    %eq3A = arith.constant 15 : i32
    %eq3A_3 = arith.cmpi eq, %arg1, %eq3A : i32
    %convert_element_type3A = arith.extui %eq3A_3 : i1 to i32
    %cond3A = arith.constant 0 : i32
    %cond3A_4 = arith.cmpi ne, %convert_element_type3A, %cond3A : i32
    scf.if %cond3A_4 {
      "tpu.region"() ({
        %run_scoped3A = tpu.sem_alloc : memref<!tpu.dma_semaphore, #tpu.memory_space<semaphore_mem>>
        %dma_start3A = arith.constant 9984 : i32
        %dma_start3A_49 = arith.constant 0 : i32
        %dma_start3A_50 = tpu.memref_slice %arg11[%dma_start3A, %dma_start3A_49] : memref<10000x128xf32, #tpu.memory_space<vmem_shared>> -> memref<16x128xf32, #tpu.memory_space<vmem_shared>>
        %dma_start3A_51 = arith.constant 0 : i32
        %dma_start3A_52 = arith.constant 0 : i32
        %dma_start3A_53 = tpu.memref_slice %arg2[%arg0, %dma_start3A_51, %dma_start3A_52] : memref<2x10000x128xf32, #tpu.memory_space<hbm>> -> memref<1x10000x128xf32, #tpu.memory_space<hbm>>
        %dma_start3A_54 = tpu.memref_squeeze %dma_start3A_53 : memref<1x10000x128xf32, #tpu.memory_space<hbm>> -> memref<10000x128xf32, #tpu.memory_space<hbm>>
        %dma_start3A_55 = arith.constant 9984 : i32
        %dma_start3A_56 = arith.constant 0 : i32
        %dma_start3A_57 = tpu.memref_slice %dma_start3A_54[%dma_start3A_55, %dma_start3A_56] : memref<10000x128xf32, #tpu.memory_space<hbm>> -> memref<16x128xf32, #tpu.memory_space<hbm>>
        tpu.enqueue_dma source(%dma_start3A_57 : memref<16x128xf32, #tpu.memory_space<hbm>>) target(%dma_start3A_50 : memref<16x128xf32, #tpu.memory_space<vmem_shared>>) target_semaphore(%run_scoped3A : memref<!tpu.dma_semaphore, #tpu.memory_space<semaphore_mem>>)
        %dma_wait3A = arith.constant 9984 : i32
        %dma_wait3A_58 = arith.constant 0 : i32
        %dma_wait3A_59 = tpu.memref_slice %arg11[%dma_wait3A, %dma_wait3A_58] : memref<10000x128xf32, #tpu.memory_space<vmem_shared>> -> memref<16x128xf32, #tpu.memory_space<vmem_shared>>
        %dma_wait3A_60 = arith.constant 0 : i32
        %dma_wait3A_61 = arith.constant 0 : i32
        %dma_wait3A_62 = tpu.memref_slice %arg2[%arg0, %dma_wait3A_60, %dma_wait3A_61] : memref<2x10000x128xf32, #tpu.memory_space<hbm>> -> memref<1x10000x128xf32, #tpu.memory_space<hbm>>
        %dma_wait3A_63 = tpu.memref_squeeze %dma_wait3A_62 : memref<1x10000x128xf32, #tpu.memory_space<hbm>> -> memref<10000x128xf32, #tpu.memory_space<hbm>>
        %dma_wait3A_64 = arith.constant 9984 : i32
        %dma_wait3A_65 = arith.constant 0 : i32
        %dma_wait3A_66 = tpu.memref_slice %dma_wait3A_63[%dma_wait3A_64, %dma_wait3A_65] : memref<10000x128xf32, #tpu.memory_space<hbm>> -> memref<16x128xf32, #tpu.memory_space<hbm>>
        tpu.wait_dma2 semaphore(%run_scoped3A : memref<!tpu.dma_semaphore, #tpu.memory_space<semaphore_mem>>) src(%dma_wait3A_66 : memref<16x128xf32, #tpu.memory_space<hbm>>) dst(%dma_wait3A_59 : memref<16x128xf32, #tpu.memory_space<vmem_shared>>)
        tpu.yield
      }) : () -> ()
    } else {
    }
    %barrier3A = arith.constant 0 : index
    tpu.barrier barrier_id(%barrier3A)
    %sub3A = arith.constant 1250 : i32
    %sub3A_5 = arith.subi %sub3A, %arg1 : i32
    %add3A = arith.constant 16 : i32
    %add3A_6 = arith.addi %sub3A_5, %add3A : i32
    %sub3A_7 = arith.constant 1 : i32
    %sub3A_8 = arith.subi %add3A_6, %sub3A_7 : i32
    %jit3A = arith.constant 16 : i32
    %div3A = arith.divsi %sub3A_8, %jit3A : i32
    %sign3A = arith.constant 0 : i32
    %sign3A_9 = arith.cmpi sgt, %sub3A_8, %sign3A : i32
    %sign3A_10 = arith.extui %sign3A_9 : i1 to i32
    %sign3A_11 = arith.constant 0 : i32
    %sign3A_12 = arith.cmpi slt, %sub3A_8, %sign3A_11 : i32
    %sign3A_13 = arith.extui %sign3A_12 : i1 to i32
    %sign3A_14 = arith.subi %sign3A_10, %sign3A_13 : i32
    %sign3A_15 = arith.constant 0 : i32
    %sign3A_16 = arith.cmpi sgt, %jit3A, %sign3A_15 : i32
    %sign3A_17 = arith.extui %sign3A_16 : i1 to i32
    %sign3A_18 = arith.constant 0 : i32
    %sign3A_19 = arith.cmpi slt, %jit3A, %sign3A_18 : i32
    %sign3A_20 = arith.extui %sign3A_19 : i1 to i32
    %sign3A_21 = arith.subi %sign3A_17, %sign3A_20 : i32
    %ne3A = arith.cmpi ne, %sign3A_14, %sign3A_21 : i32
    %rem3A = arith.remsi %sub3A_8, %jit3A : i32
    %ne3A_22 = arith.constant 0 : i32
    %ne3A_23 = arith.cmpi ne, %rem3A, %ne3A_22 : i32
    %and3A = arith.andi %ne3A, %ne3A_23 : i1
    %sub3A_24 = arith.constant 1 : i32
    %sub3A_25 = arith.subi %div3A, %sub3A_24 : i32
    %select_n3A = arith.select %and3A, %sub3A_25, %div3A : i32
    %gt3A = arith.constant 0 : i32
    %gt3A_26 = arith.cmpi sgt, %select_n3A, %gt3A : i32
    %convert_element_type3A_27 = arith.extui %gt3A_26 : i1 to i32
    %cond3A_28 = arith.constant 0 : i32
    %cond3A_29 = arith.cmpi ne, %convert_element_type3A_27, %cond3A_28 : i32
    scf.if %cond3A_29 {
      %add3A_49 = arith.constant 0 : i32
      %add3A_50 = arith.addi %arg1, %add3A_49 : i32
      %mul3A_51 = arith.constant 128 : i32
      %mul3A_52 = arith.muli %add3A_50, %mul3A_51 : i32
      %dma_start3A = tpu.memref_slice %arg3[%mul3A_52] : memref<320000xi32, #tpu.memory_space<hbm>> -> memref<128xi32, #tpu.memory_space<hbm>>
      %dma_start3A_53 = tpu.memref_slice %arg3[%mul3A_52] : memref<320000xi32, #tpu.memory_space<hbm>> -> memref<128xi32, #tpu.memory_space<hbm>>
      tpu.enqueue_dma source(%dma_start3A_53 : memref<128xi32, #tpu.memory_space<hbm>>) target(%arg5 : memref<128xi32, #tpu.memory_space<vmem>>) target_semaphore(%arg12 : memref<!tpu.dma_semaphore, #tpu.memory_space<semaphore_mem>>)
      %add3A_54 = arith.constant 0 : i32
      %add3A_55 = arith.addi %arg1, %add3A_54 : i32
      %mul3A_56 = arith.constant 128 : i32
      %mul3A_57 = arith.muli %add3A_55, %mul3A_56 : i32
      %add3A_58 = arith.constant 160000 : i32
      %add3A_59 = arith.addi %add3A_58, %mul3A_57 : i32
      %dma_start3A_60 = tpu.memref_slice %arg3[%add3A_59] : memref<320000xi32, #tpu.memory_space<hbm>> -> memref<128xi32, #tpu.memory_space<hbm>>
      %dma_start3A_61 = tpu.memref_slice %arg3[%add3A_59] : memref<320000xi32, #tpu.memory_space<hbm>> -> memref<128xi32, #tpu.memory_space<hbm>>
      tpu.enqueue_dma source(%dma_start3A_61 : memref<128xi32, #tpu.memory_space<hbm>>) target(%arg7 : memref<128xi32, #tpu.memory_space<vmem>>) target_semaphore(%arg14 : memref<!tpu.dma_semaphore, #tpu.memory_space<semaphore_mem>>)
    } else {
    }
    %gt3A_30 = arith.constant 1 : i32
    %gt3A_31 = arith.cmpi sgt, %select_n3A, %gt3A_30 : i32
    %convert_element_type3A_32 = arith.extui %gt3A_31 : i1 to i32
    %cond3A_33 = arith.constant 0 : i32
    %cond3A_34 = arith.cmpi ne, %convert_element_type3A_32, %cond3A_33 : i32
    scf.if %cond3A_34 {
      %add3A_49 = arith.constant 16 : i32
      %add3A_50 = arith.addi %arg1, %add3A_49 : i32
      %mul3A_51 = arith.constant 128 : i32
      %mul3A_52 = arith.muli %add3A_50, %mul3A_51 : i32
      %dma_start3A = tpu.memref_slice %arg3[%mul3A_52] : memref<320000xi32, #tpu.memory_space<hbm>> -> memref<128xi32, #tpu.memory_space<hbm>>
      %dma_start3A_53 = tpu.memref_slice %arg3[%mul3A_52] : memref<320000xi32, #tpu.memory_space<hbm>> -> memref<128xi32, #tpu.memory_space<hbm>>
      tpu.enqueue_dma source(%dma_start3A_53 : memref<128xi32, #tpu.memory_space<hbm>>) target(%arg6 : memref<128xi32, #tpu.memory_space<vmem>>) target_semaphore(%arg13 : memref<!tpu.dma_semaphore, #tpu.memory_space<semaphore_mem>>)
      %add3A_54 = arith.constant 16 : i32
      %add3A_55 = arith.addi %arg1, %add3A_54 : i32
      %mul3A_56 = arith.constant 128 : i32
      %mul3A_57 = arith.muli %add3A_55, %mul3A_56 : i32
      %add3A_58 = arith.constant 160000 : i32
      %add3A_59 = arith.addi %add3A_58, %mul3A_57 : i32
      %dma_start3A_60 = tpu.memref_slice %arg3[%add3A_59] : memref<320000xi32, #tpu.memory_space<hbm>> -> memref<128xi32, #tpu.memory_space<hbm>>
      %dma_start3A_61 = tpu.memref_slice %arg3[%add3A_59] : memref<320000xi32, #tpu.memory_space<hbm>> -> memref<128xi32, #tpu.memory_space<hbm>>
      tpu.enqueue_dma source(%dma_start3A_61 : memref<128xi32, #tpu.memory_space<hbm>>) target(%arg8 : memref<128xi32, #tpu.memory_space<vmem>>) target_semaphore(%arg15 : memref<!tpu.dma_semaphore, #tpu.memory_space<semaphore_mem>>)
    } else {
    }
    %scan3A = arith.constant 0 : i32
    %scan3A_35 = arith.constant 40 : i32
    %scan3A_36 = arith.addi %scan3A, %scan3A_35 : i32
    %scan3A_37 = arith.constant 1 : i32
    scf.for %scan3A_49 = %scan3A to %scan3A_36 step %scan3A_37  : i32 {
      %mul3A_50 = arith.constant 1 : i32
      %mul3A_51 = arith.muli %scan3A_49, %mul3A_50 : i32
      %add3A_52 = arith.constant 0 : i32
      %add3A_53 = arith.addi %add3A_52, %mul3A_51 : i32
      %mul3A_54 = arith.constant 2 : i32
      %mul3A_55 = arith.muli %add3A_53, %mul3A_54 : i32
      %lt3A = arith.cmpi slt, %mul3A_55, %select_n3A : i32
      %convert_element_type3A_56 = arith.extui %lt3A : i1 to i32
      %cond3A_57 = arith.constant 0 : i32
      %cond3A_58 = arith.cmpi ne, %convert_element_type3A_56, %cond3A_57 : i32
      scf.if %cond3A_58 {
        %mul3A_84 = arith.constant 16 : i32
        %mul3A_85 = arith.muli %mul3A_55, %mul3A_84 : i32
        %add3A_86 = arith.addi %arg1, %mul3A_85 : i32
        %mul3A_87 = arith.constant 128 : i32
        %mul3A_88 = arith.muli %add3A_86, %mul3A_87 : i32
        %dma_wait3A = tpu.memref_slice %arg3[%mul3A_88] : memref<320000xi32, #tpu.memory_space<hbm>> -> memref<128xi32, #tpu.memory_space<hbm>>
        %dma_wait3A_89 = tpu.memref_slice %arg3[%mul3A_88] : memref<320000xi32, #tpu.memory_space<hbm>> -> memref<128xi32, #tpu.memory_space<hbm>>
        tpu.wait_dma2 semaphore(%arg12 : memref<!tpu.dma_semaphore, #tpu.memory_space<semaphore_mem>>) src(%dma_wait3A_89 : memref<128xi32, #tpu.memory_space<hbm>>) dst(%arg5 : memref<128xi32, #tpu.memory_space<vmem>>)
        %dma_start3A = arith.constant 0 : i32
        %dma_start3A_90 = arith.constant 0 : i32
        %dma_start3A_91 = tpu.memref_slice %arg2[%arg0, %dma_start3A, %dma_start3A_90] : memref<2x10000x128xf32, #tpu.memory_space<hbm>> -> memref<1x10000x128xf32, #tpu.memory_space<hbm>>
        %dma_start3A_92 = tpu.memref_squeeze %dma_start3A_91 : memref<1x10000x128xf32, #tpu.memory_space<hbm>> -> memref<10000x128xf32, #tpu.memory_space<hbm>>
        %dma_start3A_93 = arith.constant 0 : i32
        %dma_start3A_94 = arith.constant 0 : i32
        %dma_start3A_95 = tpu.memref_slice %dma_start3A_92[%dma_start3A_93, %dma_start3A_94] : memref<10000x128xf32, #tpu.memory_space<hbm>> -> memref<10000x128xf32, #tpu.memory_space<hbm>>
        tpu.enqueue_indirect_dma source(%dma_start3A_95 : memref<10000x128xf32, #tpu.memory_space<hbm>>) target(%arg9 : memref<128x128xf32, #tpu.memory_space<vmem>>) offsets(%arg5 : memref<128xi32, #tpu.memory_space<vmem>>) semaphore(%arg16 : memref<!tpu.dma_semaphore, #tpu.memory_space<semaphore_mem>>)
      } else {
      }
      %ge3A = arith.constant 1 : i32
      %ge3A_59 = arith.cmpi sge, %mul3A_55, %ge3A : i32
      %sub3A_60 = arith.constant 1 : i32
      %sub3A_61 = arith.subi %mul3A_55, %sub3A_60 : i32
      %lt3A_62 = arith.cmpi slt, %sub3A_61, %select_n3A : i32
      %and3A_63 = arith.andi %ge3A_59, %lt3A_62 : i1
      %convert_element_type3A_64 = arith.extui %and3A_63 : i1 to i32
      %cond3A_65 = arith.constant 0 : i32
      %cond3A_66 = arith.cmpi ne, %convert_element_type3A_64, %cond3A_65 : i32
      scf.if %cond3A_66 {
        %dma_wait3A = arith.constant 0 : i32
        %dma_wait3A_84 = arith.constant 0 : i32
        %dma_wait3A_85 = tpu.memref_slice %arg2[%arg0, %dma_wait3A, %dma_wait3A_84] : memref<2x10000x128xf32, #tpu.memory_space<hbm>> -> memref<1x10000x128xf32, #tpu.memory_space<hbm>>
        %dma_wait3A_86 = tpu.memref_squeeze %dma_wait3A_85 : memref<1x10000x128xf32, #tpu.memory_space<hbm>> -> memref<10000x128xf32, #tpu.memory_space<hbm>>
        %dma_wait3A_87 = arith.constant 0 : i32
        %dma_wait3A_88 = arith.constant 0 : i32
        %dma_wait3A_89 = tpu.memref_slice %dma_wait3A_86[%dma_wait3A_87, %dma_wait3A_88] : memref<10000x128xf32, #tpu.memory_space<hbm>> -> memref<10000x128xf32, #tpu.memory_space<hbm>>
        tpu.wait_indirect_dma semaphore(%arg17 : memref<!tpu.dma_semaphore, #tpu.memory_space<semaphore_mem>>) src(%dma_wait3A_89 : memref<10000x128xf32, #tpu.memory_space<hbm>>) dst(%arg10 : memref<128x128xf32, #tpu.memory_space<vmem>>)
        %sub3A_90 = arith.constant 1 : i32
        %sub3A_91 = arith.subi %mul3A_55, %sub3A_90 : i32
        %mul3A_92 = arith.constant 16 : i32
        %mul3A_93 = arith.muli %sub3A_91, %mul3A_92 : i32
        %add3A_94 = arith.addi %arg1, %mul3A_93 : i32
        %mul3A_95 = arith.constant 128 : i32
        %mul3A_96 = arith.muli %add3A_94, %mul3A_95 : i32
        %add3A_97 = arith.constant 160000 : i32
        %add3A_98 = arith.addi %add3A_97, %mul3A_96 : i32
        %dma_wait3A_99 = tpu.memref_slice %arg3[%add3A_98] : memref<320000xi32, #tpu.memory_space<hbm>> -> memref<128xi32, #tpu.memory_space<hbm>>
        %dma_wait3A_100 = tpu.memref_slice %arg3[%add3A_98] : memref<320000xi32, #tpu.memory_space<hbm>> -> memref<128xi32, #tpu.memory_space<hbm>>
        tpu.wait_dma2 semaphore(%arg15 : memref<!tpu.dma_semaphore, #tpu.memory_space<semaphore_mem>>) src(%dma_wait3A_100 : memref<128xi32, #tpu.memory_space<hbm>>) dst(%arg8 : memref<128xi32, #tpu.memory_space<vmem>>)
        "tpu.region"() ({
          %run_scoped3A = tpu.sem_alloc : memref<!tpu.dma_semaphore, #tpu.memory_space<semaphore_mem>>
          %dma_start3A = arith.constant 0 : i32
          %dma_start3A_107 = arith.constant 0 : i32
          %dma_start3A_108 = tpu.memref_slice %arg11[%dma_start3A, %dma_start3A_107] : memref<10000x128xf32, #tpu.memory_space<vmem_shared>> -> memref<10000x128xf32, #tpu.memory_space<vmem_shared>>
          tpu.enqueue_indirect_dma source(%arg10 : memref<128x128xf32, #tpu.memory_space<vmem>>) target(%dma_start3A_108 : memref<10000x128xf32, #tpu.memory_space<vmem_shared>>) offsets(%arg8 : memref<128xi32, #tpu.memory_space<vmem>>) semaphore(%run_scoped3A : memref<!tpu.dma_semaphore, #tpu.memory_space<semaphore_mem>>) {add = true}
          %dma_wait3A_109 = arith.constant 0 : i32
          %dma_wait3A_110 = arith.constant 0 : i32
          %dma_wait3A_111 = tpu.memref_slice %arg11[%dma_wait3A_109, %dma_wait3A_110] : memref<10000x128xf32, #tpu.memory_space<vmem_shared>> -> memref<10000x128xf32, #tpu.memory_space<vmem_shared>>
          tpu.wait_indirect_dma semaphore(%run_scoped3A : memref<!tpu.dma_semaphore, #tpu.memory_space<semaphore_mem>>) src(%arg10 : memref<128x128xf32, #tpu.memory_space<vmem>>) dst(%dma_wait3A_111 : memref<10000x128xf32, #tpu.memory_space<vmem_shared>>)
          tpu.yield
        }) : () -> ()
        %add3A_101 = arith.constant 1 : i32
        %add3A_102 = arith.addi %mul3A_55, %add3A_101 : i32
        %lt3A_103 = arith.cmpi slt, %add3A_102, %select_n3A : i32
        %convert_element_type3A_104 = arith.extui %lt3A_103 : i1 to i32
        %cond3A_105 = arith.constant 0 : i32
        %cond3A_106 = arith.cmpi ne, %convert_element_type3A_104, %cond3A_105 : i32
        scf.if %cond3A_106 {
          %mul3A_107 = arith.constant 16 : i32
          %mul3A_108 = arith.muli %add3A_102, %mul3A_107 : i32
          %add3A_109 = arith.addi %arg1, %mul3A_108 : i32
          %mul3A_110 = arith.constant 128 : i32
          %mul3A_111 = arith.muli %add3A_109, %mul3A_110 : i32
          %dma_start3A = tpu.memref_slice %arg3[%mul3A_111] : memref<320000xi32, #tpu.memory_space<hbm>> -> memref<128xi32, #tpu.memory_space<hbm>>
          %dma_start3A_112 = tpu.memref_slice %arg3[%mul3A_111] : memref<320000xi32, #tpu.memory_space<hbm>> -> memref<128xi32, #tpu.memory_space<hbm>>
          tpu.enqueue_dma source(%dma_start3A_112 : memref<128xi32, #tpu.memory_space<hbm>>) target(%arg6 : memref<128xi32, #tpu.memory_space<vmem>>) target_semaphore(%arg13 : memref<!tpu.dma_semaphore, #tpu.memory_space<semaphore_mem>>)
          %mul3A_113 = arith.constant 16 : i32
          %mul3A_114 = arith.muli %add3A_102, %mul3A_113 : i32
          %add3A_115 = arith.addi %arg1, %mul3A_114 : i32
          %mul3A_116 = arith.constant 128 : i32
          %mul3A_117 = arith.muli %add3A_115, %mul3A_116 : i32
          %add3A_118 = arith.constant 160000 : i32
          %add3A_119 = arith.addi %add3A_118, %mul3A_117 : i32
          %dma_start3A_120 = tpu.memref_slice %arg3[%add3A_119] : memref<320000xi32, #tpu.memory_space<hbm>> -> memref<128xi32, #tpu.memory_space<hbm>>
          %dma_start3A_121 = tpu.memref_slice %arg3[%add3A_119] : memref<320000xi32, #tpu.memory_space<hbm>> -> memref<128xi32, #tpu.memory_space<hbm>>
          tpu.enqueue_dma source(%dma_start3A_121 : memref<128xi32, #tpu.memory_space<hbm>>) target(%arg8 : memref<128xi32, #tpu.memory_space<vmem>>) target_semaphore(%arg15 : memref<!tpu.dma_semaphore, #tpu.memory_space<semaphore_mem>>)
        } else {
        }
      } else {
      }
      %mul3A_67 = arith.constant 2 : i32
      %mul3A_68 = arith.muli %add3A_53, %mul3A_67 : i32
      %add3A_69 = arith.constant 1 : i32
      %add3A_70 = arith.addi %mul3A_68, %add3A_69 : i32
      %lt3A_71 = arith.cmpi slt, %add3A_70, %select_n3A : i32
      %convert_element_type3A_72 = arith.extui %lt3A_71 : i1 to i32
      %cond3A_73 = arith.constant 0 : i32
      %cond3A_74 = arith.cmpi ne, %convert_element_type3A_72, %cond3A_73 : i32
      scf.if %cond3A_74 {
        %mul3A_84 = arith.constant 16 : i32
        %mul3A_85 = arith.muli %add3A_70, %mul3A_84 : i32
        %add3A_86 = arith.addi %arg1, %mul3A_85 : i32
        %mul3A_87 = arith.constant 128 : i32
        %mul3A_88 = arith.muli %add3A_86, %mul3A_87 : i32
        %dma_wait3A = tpu.memref_slice %arg3[%mul3A_88] : memref<320000xi32, #tpu.memory_space<hbm>> -> memref<128xi32, #tpu.memory_space<hbm>>
        %dma_wait3A_89 = tpu.memref_slice %arg3[%mul3A_88] : memref<320000xi32, #tpu.memory_space<hbm>> -> memref<128xi32, #tpu.memory_space<hbm>>
        tpu.wait_dma2 semaphore(%arg13 : memref<!tpu.dma_semaphore, #tpu.memory_space<semaphore_mem>>) src(%dma_wait3A_89 : memref<128xi32, #tpu.memory_space<hbm>>) dst(%arg6 : memref<128xi32, #tpu.memory_space<vmem>>)
        %dma_start3A = arith.constant 0 : i32
        %dma_start3A_90 = arith.constant 0 : i32
        %dma_start3A_91 = tpu.memref_slice %arg2[%arg0, %dma_start3A, %dma_start3A_90] : memref<2x10000x128xf32, #tpu.memory_space<hbm>> -> memref<1x10000x128xf32, #tpu.memory_space<hbm>>
        %dma_start3A_92 = tpu.memref_squeeze %dma_start3A_91 : memref<1x10000x128xf32, #tpu.memory_space<hbm>> -> memref<10000x128xf32, #tpu.memory_space<hbm>>
        %dma_start3A_93 = arith.constant 0 : i32
        %dma_start3A_94 = arith.constant 0 : i32
        %dma_start3A_95 = tpu.memref_slice %dma_start3A_92[%dma_start3A_93, %dma_start3A_94] : memref<10000x128xf32, #tpu.memory_space<hbm>> -> memref<10000x128xf32, #tpu.memory_space<hbm>>
        tpu.enqueue_indirect_dma source(%dma_start3A_95 : memref<10000x128xf32, #tpu.memory_space<hbm>>) target(%arg10 : memref<128x128xf32, #tpu.memory_space<vmem>>) offsets(%arg6 : memref<128xi32, #tpu.memory_space<vmem>>) semaphore(%arg17 : memref<!tpu.dma_semaphore, #tpu.memory_space<semaphore_mem>>)
      } else {
      }
      %ge3A_75 = arith.constant 1 : i32
      %ge3A_76 = arith.cmpi sge, %add3A_70, %ge3A_75 : i32
      %sub3A_77 = arith.constant 1 : i32
      %sub3A_78 = arith.subi %add3A_70, %sub3A_77 : i32
      %lt3A_79 = arith.cmpi slt, %sub3A_78, %select_n3A : i32
      %and3A_80 = arith.andi %ge3A_76, %lt3A_79 : i1
      %convert_element_type3A_81 = arith.extui %and3A_80 : i1 to i32
      %cond3A_82 = arith.constant 0 : i32
      %cond3A_83 = arith.cmpi ne, %convert_element_type3A_81, %cond3A_82 : i32
      scf.if %cond3A_83 {
        %dma_wait3A = arith.constant 0 : i32
        %dma_wait3A_84 = arith.constant 0 : i32
        %dma_wait3A_85 = tpu.memref_slice %arg2[%arg0, %dma_wait3A, %dma_wait3A_84] : memref<2x10000x128xf32, #tpu.memory_space<hbm>> -> memref<1x10000x128xf32, #tpu.memory_space<hbm>>
        %dma_wait3A_86 = tpu.memref_squeeze %dma_wait3A_85 : memref<1x10000x128xf32, #tpu.memory_space<hbm>> -> memref<10000x128xf32, #tpu.memory_space<hbm>>
        %dma_wait3A_87 = arith.constant 0 : i32
        %dma_wait3A_88 = arith.constant 0 : i32
        %dma_wait3A_89 = tpu.memref_slice %dma_wait3A_86[%dma_wait3A_87, %dma_wait3A_88] : memref<10000x128xf32, #tpu.memory_space<hbm>> -> memref<10000x128xf32, #tpu.memory_space<hbm>>
        tpu.wait_indirect_dma semaphore(%arg16 : memref<!tpu.dma_semaphore, #tpu.memory_space<semaphore_mem>>) src(%dma_wait3A_89 : memref<10000x128xf32, #tpu.memory_space<hbm>>) dst(%arg9 : memref<128x128xf32, #tpu.memory_space<vmem>>)
        %sub3A_90 = arith.constant 1 : i32
        %sub3A_91 = arith.subi %add3A_70, %sub3A_90 : i32
        %mul3A_92 = arith.constant 16 : i32
        %mul3A_93 = arith.muli %sub3A_91, %mul3A_92 : i32
        %add3A_94 = arith.addi %arg1, %mul3A_93 : i32
        %mul3A_95 = arith.constant 128 : i32
        %mul3A_96 = arith.muli %add3A_94, %mul3A_95 : i32
        %add3A_97 = arith.constant 160000 : i32
        %add3A_98 = arith.addi %add3A_97, %mul3A_96 : i32
        %dma_wait3A_99 = tpu.memref_slice %arg3[%add3A_98] : memref<320000xi32, #tpu.memory_space<hbm>> -> memref<128xi32, #tpu.memory_space<hbm>>
        %dma_wait3A_100 = tpu.memref_slice %arg3[%add3A_98] : memref<320000xi32, #tpu.memory_space<hbm>> -> memref<128xi32, #tpu.memory_space<hbm>>
        tpu.wait_dma2 semaphore(%arg14 : memref<!tpu.dma_semaphore, #tpu.memory_space<semaphore_mem>>) src(%dma_wait3A_100 : memref<128xi32, #tpu.memory_space<hbm>>) dst(%arg7 : memref<128xi32, #tpu.memory_space<vmem>>)
        "tpu.region"() ({
          %run_scoped3A = tpu.sem_alloc : memref<!tpu.dma_semaphore, #tpu.memory_space<semaphore_mem>>
          %dma_start3A = arith.constant 0 : i32
          %dma_start3A_107 = arith.constant 0 : i32
          %dma_start3A_108 = tpu.memref_slice %arg11[%dma_start3A, %dma_start3A_107] : memref<10000x128xf32, #tpu.memory_space<vmem_shared>> -> memref<10000x128xf32, #tpu.memory_space<vmem_shared>>
          tpu.enqueue_indirect_dma source(%arg9 : memref<128x128xf32, #tpu.memory_space<vmem>>) target(%dma_start3A_108 : memref<10000x128xf32, #tpu.memory_space<vmem_shared>>) offsets(%arg7 : memref<128xi32, #tpu.memory_space<vmem>>) semaphore(%run_scoped3A : memref<!tpu.dma_semaphore, #tpu.memory_space<semaphore_mem>>) {add = true}
          %dma_wait3A_109 = arith.constant 0 : i32
          %dma_wait3A_110 = arith.constant 0 : i32
          %dma_wait3A_111 = tpu.memref_slice %arg11[%dma_wait3A_109, %dma_wait3A_110] : memref<10000x128xf32, #tpu.memory_space<vmem_shared>> -> memref<10000x128xf32, #tpu.memory_space<vmem_shared>>
          tpu.wait_indirect_dma semaphore(%run_scoped3A : memref<!tpu.dma_semaphore, #tpu.memory_space<semaphore_mem>>) src(%arg9 : memref<128x128xf32, #tpu.memory_space<vmem>>) dst(%dma_wait3A_111 : memref<10000x128xf32, #tpu.memory_space<vmem_shared>>)
          tpu.yield
        }) : () -> ()
        %add3A_101 = arith.constant 1 : i32
        %add3A_102 = arith.addi %add3A_70, %add3A_101 : i32
        %lt3A_103 = arith.cmpi slt, %add3A_102, %select_n3A : i32
        %convert_element_type3A_104 = arith.extui %lt3A_103 : i1 to i32
        %cond3A_105 = arith.constant 0 : i32
        %cond3A_106 = arith.cmpi ne, %convert_element_type3A_104, %cond3A_105 : i32
        scf.if %cond3A_106 {
          %mul3A_107 = arith.constant 16 : i32
          %mul3A_108 = arith.muli %add3A_102, %mul3A_107 : i32
          %add3A_109 = arith.addi %arg1, %mul3A_108 : i32
          %mul3A_110 = arith.constant 128 : i32
          %mul3A_111 = arith.muli %add3A_109, %mul3A_110 : i32
          %dma_start3A = tpu.memref_slice %arg3[%mul3A_111] : memref<320000xi32, #tpu.memory_space<hbm>> -> memref<128xi32, #tpu.memory_space<hbm>>
          %dma_start3A_112 = tpu.memref_slice %arg3[%mul3A_111] : memref<320000xi32, #tpu.memory_space<hbm>> -> memref<128xi32, #tpu.memory_space<hbm>>
          tpu.enqueue_dma source(%dma_start3A_112 : memref<128xi32, #tpu.memory_space<hbm>>) target(%arg5 : memref<128xi32, #tpu.memory_space<vmem>>) target_semaphore(%arg12 : memref<!tpu.dma_semaphore, #tpu.memory_space<semaphore_mem>>)
          %mul3A_113 = arith.constant 16 : i32
          %mul3A_114 = arith.muli %add3A_102, %mul3A_113 : i32
          %add3A_115 = arith.addi %arg1, %mul3A_114 : i32
          %mul3A_116 = arith.constant 128 : i32
          %mul3A_117 = arith.muli %add3A_115, %mul3A_116 : i32
          %add3A_118 = arith.constant 160000 : i32
          %add3A_119 = arith.addi %add3A_118, %mul3A_117 : i32
          %dma_start3A_120 = tpu.memref_slice %arg3[%add3A_119] : memref<320000xi32, #tpu.memory_space<hbm>> -> memref<128xi32, #tpu.memory_space<hbm>>
          %dma_start3A_121 = tpu.memref_slice %arg3[%add3A_119] : memref<320000xi32, #tpu.memory_space<hbm>> -> memref<128xi32, #tpu.memory_space<hbm>>
          tpu.enqueue_dma source(%dma_start3A_121 : memref<128xi32, #tpu.memory_space<hbm>>) target(%arg7 : memref<128xi32, #tpu.memory_space<vmem>>) target_semaphore(%arg14 : memref<!tpu.dma_semaphore, #tpu.memory_space<semaphore_mem>>)
        } else {
        }
      } else {
      }
    }
    %scan3A_38 = arith.constant 40 : i32
    %barrier3A_39 = arith.constant 0 : index
    tpu.barrier barrier_id(%barrier3A_39)
    %mul3A_40 = arith.constant 624 : i32
    %mul3A_41 = arith.muli %arg1, %mul3A_40 : i32
    %mul3A_42 = arith.constant 624 : i32
    %mul3A_43 = arith.muli %arg1, %mul3A_42 : i32
    "tpu.region"() ({
      %run_scoped3A = tpu.sem_alloc : memref<!tpu.dma_semaphore, #tpu.memory_space<semaphore_mem>>
      %dma_start3A = arith.constant 0 : i32
      %dma_start3A_49 = arith.constant 0 : i32
      %dma_start3A_50 = tpu.memref_slice %arg4[%arg0, %dma_start3A, %dma_start3A_49] : memref<2x10000x128xf32, #tpu.memory_space<hbm>> -> memref<1x10000x128xf32, #tpu.memory_space<hbm>>
      %dma_start3A_51 = tpu.memref_squeeze %dma_start3A_50 : memref<1x10000x128xf32, #tpu.memory_space<hbm>> -> memref<10000x128xf32, #tpu.memory_space<hbm>>
      %dma_start3A_52 = arith.constant 0 : i32
      %dma_start3A_53 = tpu.memref_slice %dma_start3A_51[%mul3A_43, %dma_start3A_52] : memref<10000x128xf32, #tpu.memory_space<hbm>> -> memref<624x128xf32, #tpu.memory_space<hbm>>
      %dma_start3A_54 = arith.constant 0 : i32
      %dma_start3A_55 = tpu.memref_slice %arg11[%mul3A_41, %dma_start3A_54] : memref<10000x128xf32, #tpu.memory_space<vmem_shared>> -> memref<624x128xf32, #tpu.memory_space<vmem_shared>>
      tpu.enqueue_dma source(%dma_start3A_55 : memref<624x128xf32, #tpu.memory_space<vmem_shared>>) target(%dma_start3A_53 : memref<624x128xf32, #tpu.memory_space<hbm>>) target_semaphore(%run_scoped3A : memref<!tpu.dma_semaphore, #tpu.memory_space<semaphore_mem>>)
      %dma_wait3A = arith.constant 0 : i32
      %dma_wait3A_56 = arith.constant 0 : i32
      %dma_wait3A_57 = tpu.memref_slice %arg4[%arg0, %dma_wait3A, %dma_wait3A_56] : memref<2x10000x128xf32, #tpu.memory_space<hbm>> -> memref<1x10000x128xf32, #tpu.memory_space<hbm>>
      %dma_wait3A_58 = tpu.memref_squeeze %dma_wait3A_57 : memref<1x10000x128xf32, #tpu.memory_space<hbm>> -> memref<10000x128xf32, #tpu.memory_space<hbm>>
      %dma_wait3A_59 = arith.constant 0 : i32
      %dma_wait3A_60 = tpu.memref_slice %dma_wait3A_58[%mul3A_43, %dma_wait3A_59] : memref<10000x128xf32, #tpu.memory_space<hbm>> -> memref<624x128xf32, #tpu.memory_space<hbm>>
      %dma_wait3A_61 = arith.constant 0 : i32
      %dma_wait3A_62 = tpu.memref_slice %arg11[%mul3A_41, %dma_wait3A_61] : memref<10000x128xf32, #tpu.memory_space<vmem_shared>> -> memref<624x128xf32, #tpu.memory_space<vmem_shared>>
      tpu.wait_dma2 semaphore(%run_scoped3A : memref<!tpu.dma_semaphore, #tpu.memory_space<semaphore_mem>>) src(%dma_wait3A_62 : memref<624x128xf32, #tpu.memory_space<vmem_shared>>) dst(%dma_wait3A_60 : memref<624x128xf32, #tpu.memory_space<hbm>>)
      tpu.yield
    }) : () -> ()
    %eq3A_44 = arith.constant 15 : i32
    %eq3A_45 = arith.cmpi eq, %arg1, %eq3A_44 : i32
    %convert_element_type3A_46 = arith.extui %eq3A_45 : i1 to i32
    %cond3A_47 = arith.constant 0 : i32
    %cond3A_48 = arith.cmpi ne, %convert_element_type3A_46, %cond3A_47 : i32
    scf.if %cond3A_48 {
      "tpu.region"() ({
        %run_scoped3A = tpu.sem_alloc : memref<!tpu.dma_semaphore, #tpu.memory_space<semaphore_mem>>
        %dma_start3A = arith.constant 0 : i32
        %dma_start3A_49 = arith.constant 0 : i32
        %dma_start3A_50 = tpu.memref_slice %arg4[%arg0, %dma_start3A, %dma_start3A_49] : memref<2x10000x128xf32, #tpu.memory_space<hbm>> -> memref<1x10000x128xf32, #tpu.memory_space<hbm>>
        %dma_start3A_51 = tpu.memref_squeeze %dma_start3A_50 : memref<1x10000x128xf32, #tpu.memory_space<hbm>> -> memref<10000x128xf32, #tpu.memory_space<hbm>>
        %dma_start3A_52 = arith.constant 9984 : i32
        %dma_start3A_53 = arith.constant 0 : i32
        %dma_start3A_54 = tpu.memref_slice %dma_start3A_51[%dma_start3A_52, %dma_start3A_53] : memref<10000x128xf32, #tpu.memory_space<hbm>> -> memref<16x128xf32, #tpu.memory_space<hbm>>
        %dma_start3A_55 = arith.constant 9984 : i32
        %dma_start3A_56 = arith.constant 0 : i32
        %dma_start3A_57 = tpu.memref_slice %arg11[%dma_start3A_55, %dma_start3A_56] : memref<10000x128xf32, #tpu.memory_space<vmem_shared>> -> memref<16x128xf32, #tpu.memory_space<vmem_shared>>
        tpu.enqueue_dma source(%dma_start3A_57 : memref<16x128xf32, #tpu.memory_space<vmem_shared>>) target(%dma_start3A_54 : memref<16x128xf32, #tpu.memory_space<hbm>>) target_semaphore(%run_scoped3A : memref<!tpu.dma_semaphore, #tpu.memory_space<semaphore_mem>>)
        %dma_wait3A = arith.constant 0 : i32
        %dma_wait3A_58 = arith.constant 0 : i32
        %dma_wait3A_59 = tpu.memref_slice %arg4[%arg0, %dma_wait3A, %dma_wait3A_58] : memref<2x10000x128xf32, #tpu.memory_space<hbm>> -> memref<1x10000x128xf32, #tpu.memory_space<hbm>>
        %dma_wait3A_60 = tpu.memref_squeeze %dma_wait3A_59 : memref<1x10000x128xf32, #tpu.memory_space<hbm>> -> memref<10000x128xf32, #tpu.memory_space<hbm>>
        %dma_wait3A_61 = arith.constant 9984 : i32
        %dma_wait3A_62 = arith.constant 0 : i32
        %dma_wait3A_63 = tpu.memref_slice %dma_wait3A_60[%dma_wait3A_61, %dma_wait3A_62] : memref<10000x128xf32, #tpu.memory_space<hbm>> -> memref<16x128xf32, #tpu.memory_space<hbm>>
        %dma_wait3A_64 = arith.constant 9984 : i32
        %dma_wait3A_65 = arith.constant 0 : i32
        %dma_wait3A_66 = tpu.memref_slice %arg11[%dma_wait3A_64, %dma_wait3A_65] : memref<10000x128xf32, #tpu.memory_space<vmem_shared>> -> memref<16x128xf32, #tpu.memory_space<vmem_shared>>
        tpu.wait_dma2 semaphore(%run_scoped3A : memref<!tpu.dma_semaphore, #tpu.memory_space<semaphore_mem>>) src(%dma_wait3A_66 : memref<16x128xf32, #tpu.memory_space<vmem_shared>>) dst(%dma_wait3A_63 : memref<16x128xf32, #tpu.memory_space<hbm>>)
        tpu.yield
      }) : () -> ()
    } else {
    }
    return
  }
}

#map = affine_map<(d0, d1) -> (0)>
#map1 = affine_map<(d0, d1) -> (0, 0)>
#map2 = affine_map<(d0, d1) -> (0, 0, 0)>
module attributes {stable_mosaic.version = 14 : i64} {
  func.func @_deg_body(%arg0: i32, %arg1: i32, %arg2: memref<160000xi32, #tpu.memory_space<hbm>>, %arg3: memref<10000x128xf32, #tpu.memory_space<hbm>>, %arg4: memref<128x128xf32, #tpu.memory_space<hbm>>, %arg5: memref<2x10000x128xf32, #tpu.memory_space<hbm>>, %arg6: memref<128xi32, #tpu.memory_space<vmem>>, %arg7: memref<128xi32, #tpu.memory_space<vmem>>, %arg8: memref<128x128xf32, #tpu.memory_space<vmem>>, %arg9: memref<10000x128xf32, #tpu.memory_space<vmem_shared>>, %arg10: memref<!tpu.dma_semaphore, #tpu.memory_space<semaphore_mem>>, %arg11: memref<!tpu.dma_semaphore, #tpu.memory_space<semaphore_mem>>) attributes {dimension_semantics = [#tpu.dimension_semantics<core_parallel>, #tpu.dimension_semantics<subcore_parallel>], iteration_bounds = array<i64: 2, 16>, scalar_prefetch = 0 : i64, scratch_operands = 6 : i64, tpu.core_type = #tpu.core_type<sc_vector_subcore>, window_params = [{transform_indices = #map}, {transform_indices = #map1}, {transform_indices = #map1}, {transform_indices = #map2}]} {
    %mul3A = arith.constant 624 : i32
    %mul3A_0 = arith.muli %arg1, %mul3A : i32
    %mul3A_1 = arith.constant 624 : i32
    %mul3A_2 = arith.muli %arg1, %mul3A_1 : i32
    "tpu.region"() ({
      %run_scoped3A = tpu.sem_alloc : memref<!tpu.dma_semaphore, #tpu.memory_space<semaphore_mem>>
      %dma_start3A = arith.constant 0 : i32
      %dma_start3A_49 = tpu.memref_slice %arg9[%mul3A_2, %dma_start3A] : memref<10000x128xf32, #tpu.memory_space<vmem_shared>> -> memref<624x128xf32, #tpu.memory_space<vmem_shared>>
      %dma_start3A_50 = arith.constant 0 : i32
      %dma_start3A_51 = tpu.memref_slice %arg3[%mul3A_0, %dma_start3A_50] : memref<10000x128xf32, #tpu.memory_space<hbm>> -> memref<624x128xf32, #tpu.memory_space<hbm>>
      tpu.enqueue_dma source(%dma_start3A_51 : memref<624x128xf32, #tpu.memory_space<hbm>>) target(%dma_start3A_49 : memref<624x128xf32, #tpu.memory_space<vmem_shared>>) target_semaphore(%run_scoped3A : memref<!tpu.dma_semaphore, #tpu.memory_space<semaphore_mem>>)
      %dma_wait3A = arith.constant 0 : i32
      %dma_wait3A_52 = tpu.memref_slice %arg9[%mul3A_2, %dma_wait3A] : memref<10000x128xf32, #tpu.memory_space<vmem_shared>> -> memref<624x128xf32, #tpu.memory_space<vmem_shared>>
      %dma_wait3A_53 = arith.constant 0 : i32
      %dma_wait3A_54 = tpu.memref_slice %arg3[%mul3A_0, %dma_wait3A_53] : memref<10000x128xf32, #tpu.memory_space<hbm>> -> memref<624x128xf32, #tpu.memory_space<hbm>>
      tpu.wait_dma2 semaphore(%run_scoped3A : memref<!tpu.dma_semaphore, #tpu.memory_space<semaphore_mem>>) src(%dma_wait3A_54 : memref<624x128xf32, #tpu.memory_space<hbm>>) dst(%dma_wait3A_52 : memref<624x128xf32, #tpu.memory_space<vmem_shared>>)
      tpu.yield
    }) : () -> ()
    %eq3A = arith.constant 15 : i32
    %eq3A_3 = arith.cmpi eq, %arg1, %eq3A : i32
    %convert_element_type3A = arith.extui %eq3A_3 : i1 to i32
    %cond3A = arith.constant 0 : i32
    %cond3A_4 = arith.cmpi ne, %convert_element_type3A, %cond3A : i32
    scf.if %cond3A_4 {
      "tpu.region"() ({
        %run_scoped3A = tpu.sem_alloc : memref<!tpu.dma_semaphore, #tpu.memory_space<semaphore_mem>>
        %dma_start3A = arith.constant 9984 : i32
        %dma_start3A_49 = arith.constant 0 : i32
        %dma_start3A_50 = tpu.memref_slice %arg9[%dma_start3A, %dma_start3A_49] : memref<10000x128xf32, #tpu.memory_space<vmem_shared>> -> memref<16x128xf32, #tpu.memory_space<vmem_shared>>
        %dma_start3A_51 = arith.constant 9984 : i32
        %dma_start3A_52 = arith.constant 0 : i32
        %dma_start3A_53 = tpu.memref_slice %arg3[%dma_start3A_51, %dma_start3A_52] : memref<10000x128xf32, #tpu.memory_space<hbm>> -> memref<16x128xf32, #tpu.memory_space<hbm>>
        tpu.enqueue_dma source(%dma_start3A_53 : memref<16x128xf32, #tpu.memory_space<hbm>>) target(%dma_start3A_50 : memref<16x128xf32, #tpu.memory_space<vmem_shared>>) target_semaphore(%run_scoped3A : memref<!tpu.dma_semaphore, #tpu.memory_space<semaphore_mem>>)
        %dma_wait3A = arith.constant 9984 : i32
        %dma_wait3A_54 = arith.constant 0 : i32
        %dma_wait3A_55 = tpu.memref_slice %arg9[%dma_wait3A, %dma_wait3A_54] : memref<10000x128xf32, #tpu.memory_space<vmem_shared>> -> memref<16x128xf32, #tpu.memory_space<vmem_shared>>
        %dma_wait3A_56 = arith.constant 9984 : i32
        %dma_wait3A_57 = arith.constant 0 : i32
        %dma_wait3A_58 = tpu.memref_slice %arg3[%dma_wait3A_56, %dma_wait3A_57] : memref<10000x128xf32, #tpu.memory_space<hbm>> -> memref<16x128xf32, #tpu.memory_space<hbm>>
        tpu.wait_dma2 semaphore(%run_scoped3A : memref<!tpu.dma_semaphore, #tpu.memory_space<semaphore_mem>>) src(%dma_wait3A_58 : memref<16x128xf32, #tpu.memory_space<hbm>>) dst(%dma_wait3A_55 : memref<16x128xf32, #tpu.memory_space<vmem_shared>>)
        tpu.yield
      }) : () -> ()
    } else {
    }
    "tpu.region"() ({
      %run_scoped3A = tpu.sem_alloc : memref<!tpu.dma_semaphore, #tpu.memory_space<semaphore_mem>>
      tpu.enqueue_dma source(%arg4 : memref<128x128xf32, #tpu.memory_space<hbm>>) target(%arg8 : memref<128x128xf32, #tpu.memory_space<vmem>>) target_semaphore(%run_scoped3A : memref<!tpu.dma_semaphore, #tpu.memory_space<semaphore_mem>>)
      tpu.wait_dma2 semaphore(%run_scoped3A : memref<!tpu.dma_semaphore, #tpu.memory_space<semaphore_mem>>) src(%arg4 : memref<128x128xf32, #tpu.memory_space<hbm>>) dst(%arg8 : memref<128x128xf32, #tpu.memory_space<vmem>>)
      tpu.yield
    }) : () -> ()
    %barrier3A = arith.constant 0 : index
    tpu.barrier barrier_id(%barrier3A)
    %sub3A = arith.constant 625 : i32
    %sub3A_5 = arith.subi %sub3A, %arg1 : i32
    %add3A = arith.constant 16 : i32
    %add3A_6 = arith.addi %sub3A_5, %add3A : i32
    %sub3A_7 = arith.constant 1 : i32
    %sub3A_8 = arith.subi %add3A_6, %sub3A_7 : i32
    %jit3A = arith.constant 16 : i32
    %div3A = arith.divsi %sub3A_8, %jit3A : i32
    %sign3A = arith.constant 0 : i32
    %sign3A_9 = arith.cmpi sgt, %sub3A_8, %sign3A : i32
    %sign3A_10 = arith.extui %sign3A_9 : i1 to i32
    %sign3A_11 = arith.constant 0 : i32
    %sign3A_12 = arith.cmpi slt, %sub3A_8, %sign3A_11 : i32
    %sign3A_13 = arith.extui %sign3A_12 : i1 to i32
    %sign3A_14 = arith.subi %sign3A_10, %sign3A_13 : i32
    %sign3A_15 = arith.constant 0 : i32
    %sign3A_16 = arith.cmpi sgt, %jit3A, %sign3A_15 : i32
    %sign3A_17 = arith.extui %sign3A_16 : i1 to i32
    %sign3A_18 = arith.constant 0 : i32
    %sign3A_19 = arith.cmpi slt, %jit3A, %sign3A_18 : i32
    %sign3A_20 = arith.extui %sign3A_19 : i1 to i32
    %sign3A_21 = arith.subi %sign3A_17, %sign3A_20 : i32
    %ne3A = arith.cmpi ne, %sign3A_14, %sign3A_21 : i32
    %rem3A = arith.remsi %sub3A_8, %jit3A : i32
    %ne3A_22 = arith.constant 0 : i32
    %ne3A_23 = arith.cmpi ne, %rem3A, %ne3A_22 : i32
    %and3A = arith.andi %ne3A, %ne3A_23 : i1
    %sub3A_24 = arith.constant 1 : i32
    %sub3A_25 = arith.subi %div3A, %sub3A_24 : i32
    %select_n3A = arith.select %and3A, %sub3A_25, %div3A : i32
    %gt3A = arith.constant 0 : i32
    %gt3A_26 = arith.cmpi sgt, %select_n3A, %gt3A : i32
    %convert_element_type3A_27 = arith.extui %gt3A_26 : i1 to i32
    %cond3A_28 = arith.constant 0 : i32
    %cond3A_29 = arith.cmpi ne, %convert_element_type3A_27, %cond3A_28 : i32
    scf.if %cond3A_29 {
      %mul3A_49 = arith.constant 625 : i32
      %mul3A_50 = arith.muli %arg0, %mul3A_49 : i32
      %add3A_51 = arith.addi %mul3A_50, %arg1 : i32
      %add3A_52 = arith.constant 0 : i32
      %add3A_53 = arith.addi %add3A_51, %add3A_52 : i32
      %mul3A_54 = arith.constant 128 : i32
      %mul3A_55 = arith.muli %add3A_53, %mul3A_54 : i32
      %dma_start3A = tpu.memref_slice %arg2[%mul3A_55] : memref<160000xi32, #tpu.memory_space<hbm>> -> memref<128xi32, #tpu.memory_space<hbm>>
      %dma_start3A_56 = tpu.memref_slice %arg2[%mul3A_55] : memref<160000xi32, #tpu.memory_space<hbm>> -> memref<128xi32, #tpu.memory_space<hbm>>
      tpu.enqueue_dma source(%dma_start3A_56 : memref<128xi32, #tpu.memory_space<hbm>>) target(%arg6 : memref<128xi32, #tpu.memory_space<vmem>>) target_semaphore(%arg10 : memref<!tpu.dma_semaphore, #tpu.memory_space<semaphore_mem>>)
    } else {
    }
    %gt3A_30 = arith.constant 1 : i32
    %gt3A_31 = arith.cmpi sgt, %select_n3A, %gt3A_30 : i32
    %convert_element_type3A_32 = arith.extui %gt3A_31 : i1 to i32
    %cond3A_33 = arith.constant 0 : i32
    %cond3A_34 = arith.cmpi ne, %convert_element_type3A_32, %cond3A_33 : i32
    scf.if %cond3A_34 {
      %mul3A_49 = arith.constant 625 : i32
      %mul3A_50 = arith.muli %arg0, %mul3A_49 : i32
      %add3A_51 = arith.addi %mul3A_50, %arg1 : i32
      %add3A_52 = arith.constant 16 : i32
      %add3A_53 = arith.addi %add3A_51, %add3A_52 : i32
      %mul3A_54 = arith.constant 128 : i32
      %mul3A_55 = arith.muli %add3A_53, %mul3A_54 : i32
      %dma_start3A = tpu.memref_slice %arg2[%mul3A_55] : memref<160000xi32, #tpu.memory_space<hbm>> -> memref<128xi32, #tpu.memory_space<hbm>>
      %dma_start3A_56 = tpu.memref_slice %arg2[%mul3A_55] : memref<160000xi32, #tpu.memory_space<hbm>> -> memref<128xi32, #tpu.memory_space<hbm>>
      tpu.enqueue_dma source(%dma_start3A_56 : memref<128xi32, #tpu.memory_space<hbm>>) target(%arg7 : memref<128xi32, #tpu.memory_space<vmem>>) target_semaphore(%arg11 : memref<!tpu.dma_semaphore, #tpu.memory_space<semaphore_mem>>)
    } else {
    }
    %scan3A = arith.constant 0 : i32
    %scan3A_35 = arith.constant 21 : i32
    %scan3A_36 = arith.addi %scan3A, %scan3A_35 : i32
    %scan3A_37 = arith.constant 1 : i32
    scf.for %scan3A_49 = %scan3A to %scan3A_36 step %scan3A_37  : i32 {
      %mul3A_50 = arith.constant 1 : i32
      %mul3A_51 = arith.muli %scan3A_49, %mul3A_50 : i32
      %add3A_52 = arith.constant 0 : i32
      %add3A_53 = arith.addi %add3A_52, %mul3A_51 : i32
      %mul3A_54 = arith.constant 2 : i32
      %mul3A_55 = arith.muli %add3A_53, %mul3A_54 : i32
      %lt3A = arith.cmpi slt, %mul3A_55, %select_n3A : i32
      %convert_element_type3A_56 = arith.extui %lt3A : i1 to i32
      %cond3A_57 = arith.constant 0 : i32
      %cond3A_58 = arith.cmpi ne, %convert_element_type3A_56, %cond3A_57 : i32
      scf.if %cond3A_58 {
        %mul3A_84 = arith.constant 625 : i32
        %mul3A_85 = arith.muli %arg0, %mul3A_84 : i32
        %add3A_86 = arith.addi %mul3A_85, %arg1 : i32
        %mul3A_87 = arith.constant 16 : i32
        %mul3A_88 = arith.muli %mul3A_55, %mul3A_87 : i32
        %add3A_89 = arith.addi %add3A_86, %mul3A_88 : i32
        %mul3A_90 = arith.constant 128 : i32
        %mul3A_91 = arith.muli %add3A_89, %mul3A_90 : i32
        %dma_wait3A = tpu.memref_slice %arg2[%mul3A_91] : memref<160000xi32, #tpu.memory_space<hbm>> -> memref<128xi32, #tpu.memory_space<hbm>>
        %dma_wait3A_92 = tpu.memref_slice %arg2[%mul3A_91] : memref<160000xi32, #tpu.memory_space<hbm>> -> memref<128xi32, #tpu.memory_space<hbm>>
        tpu.wait_dma2 semaphore(%arg10 : memref<!tpu.dma_semaphore, #tpu.memory_space<semaphore_mem>>) src(%dma_wait3A_92 : memref<128xi32, #tpu.memory_space<hbm>>) dst(%arg6 : memref<128xi32, #tpu.memory_space<vmem>>)
      } else {
      }
      %ge3A = arith.constant 1 : i32
      %ge3A_59 = arith.cmpi sge, %mul3A_55, %ge3A : i32
      %sub3A_60 = arith.constant 1 : i32
      %sub3A_61 = arith.subi %mul3A_55, %sub3A_60 : i32
      %lt3A_62 = arith.cmpi slt, %sub3A_61, %select_n3A : i32
      %and3A_63 = arith.andi %ge3A_59, %lt3A_62 : i1
      %convert_element_type3A_64 = arith.extui %and3A_63 : i1 to i32
      %cond3A_65 = arith.constant 0 : i32
      %cond3A_66 = arith.cmpi ne, %convert_element_type3A_64, %cond3A_65 : i32
      scf.if %cond3A_66 {
        "tpu.region"() ({
          %run_scoped3A = tpu.sem_alloc : memref<!tpu.dma_semaphore, #tpu.memory_space<semaphore_mem>>
          %dma_start3A = arith.constant 0 : i32
          %dma_start3A_90 = arith.constant 0 : i32
          %dma_start3A_91 = tpu.memref_slice %arg9[%dma_start3A, %dma_start3A_90] : memref<10000x128xf32, #tpu.memory_space<vmem_shared>> -> memref<10000x128xf32, #tpu.memory_space<vmem_shared>>
          tpu.enqueue_indirect_dma source(%arg8 : memref<128x128xf32, #tpu.memory_space<vmem>>) target(%dma_start3A_91 : memref<10000x128xf32, #tpu.memory_space<vmem_shared>>) offsets(%arg7 : memref<128xi32, #tpu.memory_space<vmem>>) semaphore(%run_scoped3A : memref<!tpu.dma_semaphore, #tpu.memory_space<semaphore_mem>>) {add = true}
          %dma_wait3A = arith.constant 0 : i32
          %dma_wait3A_92 = arith.constant 0 : i32
          %dma_wait3A_93 = tpu.memref_slice %arg9[%dma_wait3A, %dma_wait3A_92] : memref<10000x128xf32, #tpu.memory_space<vmem_shared>> -> memref<10000x128xf32, #tpu.memory_space<vmem_shared>>
          tpu.wait_indirect_dma semaphore(%run_scoped3A : memref<!tpu.dma_semaphore, #tpu.memory_space<semaphore_mem>>) src(%arg8 : memref<128x128xf32, #tpu.memory_space<vmem>>) dst(%dma_wait3A_93 : memref<10000x128xf32, #tpu.memory_space<vmem_shared>>)
          tpu.yield
        }) : () -> ()
        %add3A_84 = arith.constant 1 : i32
        %add3A_85 = arith.addi %mul3A_55, %add3A_84 : i32
        %lt3A_86 = arith.cmpi slt, %add3A_85, %select_n3A : i32
        %convert_element_type3A_87 = arith.extui %lt3A_86 : i1 to i32
        %cond3A_88 = arith.constant 0 : i32
        %cond3A_89 = arith.cmpi ne, %convert_element_type3A_87, %cond3A_88 : i32
        scf.if %cond3A_89 {
          %mul3A_90 = arith.constant 625 : i32
          %mul3A_91 = arith.muli %arg0, %mul3A_90 : i32
          %add3A_92 = arith.addi %mul3A_91, %arg1 : i32
          %mul3A_93 = arith.constant 16 : i32
          %mul3A_94 = arith.muli %add3A_85, %mul3A_93 : i32
          %add3A_95 = arith.addi %add3A_92, %mul3A_94 : i32
          %mul3A_96 = arith.constant 128 : i32
          %mul3A_97 = arith.muli %add3A_95, %mul3A_96 : i32
          %dma_start3A = tpu.memref_slice %arg2[%mul3A_97] : memref<160000xi32, #tpu.memory_space<hbm>> -> memref<128xi32, #tpu.memory_space<hbm>>
          %dma_start3A_98 = tpu.memref_slice %arg2[%mul3A_97] : memref<160000xi32, #tpu.memory_space<hbm>> -> memref<128xi32, #tpu.memory_space<hbm>>
          tpu.enqueue_dma source(%dma_start3A_98 : memref<128xi32, #tpu.memory_space<hbm>>) target(%arg7 : memref<128xi32, #tpu.memory_space<vmem>>) target_semaphore(%arg11 : memref<!tpu.dma_semaphore, #tpu.memory_space<semaphore_mem>>)
        } else {
        }
      } else {
      }
      %mul3A_67 = arith.constant 2 : i32
      %mul3A_68 = arith.muli %add3A_53, %mul3A_67 : i32
      %add3A_69 = arith.constant 1 : i32
      %add3A_70 = arith.addi %mul3A_68, %add3A_69 : i32
      %lt3A_71 = arith.cmpi slt, %add3A_70, %select_n3A : i32
      %convert_element_type3A_72 = arith.extui %lt3A_71 : i1 to i32
      %cond3A_73 = arith.constant 0 : i32
      %cond3A_74 = arith.cmpi ne, %convert_element_type3A_72, %cond3A_73 : i32
      scf.if %cond3A_74 {
        %mul3A_84 = arith.constant 625 : i32
        %mul3A_85 = arith.muli %arg0, %mul3A_84 : i32
        %add3A_86 = arith.addi %mul3A_85, %arg1 : i32
        %mul3A_87 = arith.constant 16 : i32
        %mul3A_88 = arith.muli %add3A_70, %mul3A_87 : i32
        %add3A_89 = arith.addi %add3A_86, %mul3A_88 : i32
        %mul3A_90 = arith.constant 128 : i32
        %mul3A_91 = arith.muli %add3A_89, %mul3A_90 : i32
        %dma_wait3A = tpu.memref_slice %arg2[%mul3A_91] : memref<160000xi32, #tpu.memory_space<hbm>> -> memref<128xi32, #tpu.memory_space<hbm>>
        %dma_wait3A_92 = tpu.memref_slice %arg2[%mul3A_91] : memref<160000xi32, #tpu.memory_space<hbm>> -> memref<128xi32, #tpu.memory_space<hbm>>
        tpu.wait_dma2 semaphore(%arg11 : memref<!tpu.dma_semaphore, #tpu.memory_space<semaphore_mem>>) src(%dma_wait3A_92 : memref<128xi32, #tpu.memory_space<hbm>>) dst(%arg7 : memref<128xi32, #tpu.memory_space<vmem>>)
      } else {
      }
      %ge3A_75 = arith.constant 1 : i32
      %ge3A_76 = arith.cmpi sge, %add3A_70, %ge3A_75 : i32
      %sub3A_77 = arith.constant 1 : i32
      %sub3A_78 = arith.subi %add3A_70, %sub3A_77 : i32
      %lt3A_79 = arith.cmpi slt, %sub3A_78, %select_n3A : i32
      %and3A_80 = arith.andi %ge3A_76, %lt3A_79 : i1
      %convert_element_type3A_81 = arith.extui %and3A_80 : i1 to i32
      %cond3A_82 = arith.constant 0 : i32
      %cond3A_83 = arith.cmpi ne, %convert_element_type3A_81, %cond3A_82 : i32
      scf.if %cond3A_83 {
        "tpu.region"() ({
          %run_scoped3A = tpu.sem_alloc : memref<!tpu.dma_semaphore, #tpu.memory_space<semaphore_mem>>
          %dma_start3A = arith.constant 0 : i32
          %dma_start3A_90 = arith.constant 0 : i32
          %dma_start3A_91 = tpu.memref_slice %arg9[%dma_start3A, %dma_start3A_90] : memref<10000x128xf32, #tpu.memory_space<vmem_shared>> -> memref<10000x128xf32, #tpu.memory_space<vmem_shared>>
          tpu.enqueue_indirect_dma source(%arg8 : memref<128x128xf32, #tpu.memory_space<vmem>>) target(%dma_start3A_91 : memref<10000x128xf32, #tpu.memory_space<vmem_shared>>) offsets(%arg6 : memref<128xi32, #tpu.memory_space<vmem>>) semaphore(%run_scoped3A : memref<!tpu.dma_semaphore, #tpu.memory_space<semaphore_mem>>) {add = true}
          %dma_wait3A = arith.constant 0 : i32
          %dma_wait3A_92 = arith.constant 0 : i32
          %dma_wait3A_93 = tpu.memref_slice %arg9[%dma_wait3A, %dma_wait3A_92] : memref<10000x128xf32, #tpu.memory_space<vmem_shared>> -> memref<10000x128xf32, #tpu.memory_space<vmem_shared>>
          tpu.wait_indirect_dma semaphore(%run_scoped3A : memref<!tpu.dma_semaphore, #tpu.memory_space<semaphore_mem>>) src(%arg8 : memref<128x128xf32, #tpu.memory_space<vmem>>) dst(%dma_wait3A_93 : memref<10000x128xf32, #tpu.memory_space<vmem_shared>>)
          tpu.yield
        }) : () -> ()
        %add3A_84 = arith.constant 1 : i32
        %add3A_85 = arith.addi %add3A_70, %add3A_84 : i32
        %lt3A_86 = arith.cmpi slt, %add3A_85, %select_n3A : i32
        %convert_element_type3A_87 = arith.extui %lt3A_86 : i1 to i32
        %cond3A_88 = arith.constant 0 : i32
        %cond3A_89 = arith.cmpi ne, %convert_element_type3A_87, %cond3A_88 : i32
        scf.if %cond3A_89 {
          %mul3A_90 = arith.constant 625 : i32
          %mul3A_91 = arith.muli %arg0, %mul3A_90 : i32
          %add3A_92 = arith.addi %mul3A_91, %arg1 : i32
          %mul3A_93 = arith.constant 16 : i32
          %mul3A_94 = arith.muli %add3A_85, %mul3A_93 : i32
          %add3A_95 = arith.addi %add3A_92, %mul3A_94 : i32
          %mul3A_96 = arith.constant 128 : i32
          %mul3A_97 = arith.muli %add3A_95, %mul3A_96 : i32
          %dma_start3A = tpu.memref_slice %arg2[%mul3A_97] : memref<160000xi32, #tpu.memory_space<hbm>> -> memref<128xi32, #tpu.memory_space<hbm>>
          %dma_start3A_98 = tpu.memref_slice %arg2[%mul3A_97] : memref<160000xi32, #tpu.memory_space<hbm>> -> memref<128xi32, #tpu.memory_space<hbm>>
          tpu.enqueue_dma source(%dma_start3A_98 : memref<128xi32, #tpu.memory_space<hbm>>) target(%arg6 : memref<128xi32, #tpu.memory_space<vmem>>) target_semaphore(%arg10 : memref<!tpu.dma_semaphore, #tpu.memory_space<semaphore_mem>>)
        } else {
        }
      } else {
      }
    }
    %scan3A_38 = arith.constant 21 : i32
    %barrier3A_39 = arith.constant 0 : index
    tpu.barrier barrier_id(%barrier3A_39)
    %mul3A_40 = arith.constant 624 : i32
    %mul3A_41 = arith.muli %arg1, %mul3A_40 : i32
    %mul3A_42 = arith.constant 624 : i32
    %mul3A_43 = arith.muli %arg1, %mul3A_42 : i32
    "tpu.region"() ({
      %run_scoped3A = tpu.sem_alloc : memref<!tpu.dma_semaphore, #tpu.memory_space<semaphore_mem>>
      %dma_start3A = arith.constant 0 : i32
      %dma_start3A_49 = arith.constant 0 : i32
      %dma_start3A_50 = tpu.memref_slice %arg5[%arg0, %dma_start3A, %dma_start3A_49] : memref<2x10000x128xf32, #tpu.memory_space<hbm>> -> memref<1x10000x128xf32, #tpu.memory_space<hbm>>
      %dma_start3A_51 = tpu.memref_squeeze %dma_start3A_50 : memref<1x10000x128xf32, #tpu.memory_space<hbm>> -> memref<10000x128xf32, #tpu.memory_space<hbm>>
      %dma_start3A_52 = arith.constant 0 : i32
      %dma_start3A_53 = tpu.memref_slice %dma_start3A_51[%mul3A_43, %dma_start3A_52] : memref<10000x128xf32, #tpu.memory_space<hbm>> -> memref<624x128xf32, #tpu.memory_space<hbm>>
      %dma_start3A_54 = arith.constant 0 : i32
      %dma_start3A_55 = tpu.memref_slice %arg9[%mul3A_41, %dma_start3A_54] : memref<10000x128xf32, #tpu.memory_space<vmem_shared>> -> memref<624x128xf32, #tpu.memory_space<vmem_shared>>
      tpu.enqueue_dma source(%dma_start3A_55 : memref<624x128xf32, #tpu.memory_space<vmem_shared>>) target(%dma_start3A_53 : memref<624x128xf32, #tpu.memory_space<hbm>>) target_semaphore(%run_scoped3A : memref<!tpu.dma_semaphore, #tpu.memory_space<semaphore_mem>>)
      %dma_wait3A = arith.constant 0 : i32
      %dma_wait3A_56 = arith.constant 0 : i32
      %dma_wait3A_57 = tpu.memref_slice %arg5[%arg0, %dma_wait3A, %dma_wait3A_56] : memref<2x10000x128xf32, #tpu.memory_space<hbm>> -> memref<1x10000x128xf32, #tpu.memory_space<hbm>>
      %dma_wait3A_58 = tpu.memref_squeeze %dma_wait3A_57 : memref<1x10000x128xf32, #tpu.memory_space<hbm>> -> memref<10000x128xf32, #tpu.memory_space<hbm>>
      %dma_wait3A_59 = arith.constant 0 : i32
      %dma_wait3A_60 = tpu.memref_slice %dma_wait3A_58[%mul3A_43, %dma_wait3A_59] : memref<10000x128xf32, #tpu.memory_space<hbm>> -> memref<624x128xf32, #tpu.memory_space<hbm>>
      %dma_wait3A_61 = arith.constant 0 : i32
      %dma_wait3A_62 = tpu.memref_slice %arg9[%mul3A_41, %dma_wait3A_61] : memref<10000x128xf32, #tpu.memory_space<vmem_shared>> -> memref<624x128xf32, #tpu.memory_space<vmem_shared>>
      tpu.wait_dma2 semaphore(%run_scoped3A : memref<!tpu.dma_semaphore, #tpu.memory_space<semaphore_mem>>) src(%dma_wait3A_62 : memref<624x128xf32, #tpu.memory_space<vmem_shared>>) dst(%dma_wait3A_60 : memref<624x128xf32, #tpu.memory_space<hbm>>)
      tpu.yield
    }) : () -> ()
    %eq3A_44 = arith.constant 15 : i32
    %eq3A_45 = arith.cmpi eq, %arg1, %eq3A_44 : i32
    %convert_element_type3A_46 = arith.extui %eq3A_45 : i1 to i32
    %cond3A_47 = arith.constant 0 : i32
    %cond3A_48 = arith.cmpi ne, %convert_element_type3A_46, %cond3A_47 : i32
    scf.if %cond3A_48 {
      "tpu.region"() ({
        %run_scoped3A = tpu.sem_alloc : memref<!tpu.dma_semaphore, #tpu.memory_space<semaphore_mem>>
        %dma_start3A = arith.constant 0 : i32
        %dma_start3A_49 = arith.constant 0 : i32
        %dma_start3A_50 = tpu.memref_slice %arg5[%arg0, %dma_start3A, %dma_start3A_49] : memref<2x10000x128xf32, #tpu.memory_space<hbm>> -> memref<1x10000x128xf32, #tpu.memory_space<hbm>>
        %dma_start3A_51 = tpu.memref_squeeze %dma_start3A_50 : memref<1x10000x128xf32, #tpu.memory_space<hbm>> -> memref<10000x128xf32, #tpu.memory_space<hbm>>
        %dma_start3A_52 = arith.constant 9984 : i32
        %dma_start3A_53 = arith.constant 0 : i32
        %dma_start3A_54 = tpu.memref_slice %dma_start3A_51[%dma_start3A_52, %dma_start3A_53] : memref<10000x128xf32, #tpu.memory_space<hbm>> -> memref<16x128xf32, #tpu.memory_space<hbm>>
        %dma_start3A_55 = arith.constant 9984 : i32
        %dma_start3A_56 = arith.constant 0 : i32
        %dma_start3A_57 = tpu.memref_slice %arg9[%dma_start3A_55, %dma_start3A_56] : memref<10000x128xf32, #tpu.memory_space<vmem_shared>> -> memref<16x128xf32, #tpu.memory_space<vmem_shared>>
        tpu.enqueue_dma source(%dma_start3A_57 : memref<16x128xf32, #tpu.memory_space<vmem_shared>>) target(%dma_start3A_54 : memref<16x128xf32, #tpu.memory_space<hbm>>) target_semaphore(%run_scoped3A : memref<!tpu.dma_semaphore, #tpu.memory_space<semaphore_mem>>)
        %dma_wait3A = arith.constant 0 : i32
        %dma_wait3A_58 = arith.constant 0 : i32
        %dma_wait3A_59 = tpu.memref_slice %arg5[%arg0, %dma_wait3A, %dma_wait3A_58] : memref<2x10000x128xf32, #tpu.memory_space<hbm>> -> memref<1x10000x128xf32, #tpu.memory_space<hbm>>
        %dma_wait3A_60 = tpu.memref_squeeze %dma_wait3A_59 : memref<1x10000x128xf32, #tpu.memory_space<hbm>> -> memref<10000x128xf32, #tpu.memory_space<hbm>>
        %dma_wait3A_61 = arith.constant 9984 : i32
        %dma_wait3A_62 = arith.constant 0 : i32
        %dma_wait3A_63 = tpu.memref_slice %dma_wait3A_60[%dma_wait3A_61, %dma_wait3A_62] : memref<10000x128xf32, #tpu.memory_space<hbm>> -> memref<16x128xf32, #tpu.memory_space<hbm>>
        %dma_wait3A_64 = arith.constant 9984 : i32
        %dma_wait3A_65 = arith.constant 0 : i32
        %dma_wait3A_66 = tpu.memref_slice %arg9[%dma_wait3A_64, %dma_wait3A_65] : memref<10000x128xf32, #tpu.memory_space<vmem_shared>> -> memref<16x128xf32, #tpu.memory_space<vmem_shared>>
        tpu.wait_dma2 semaphore(%run_scoped3A : memref<!tpu.dma_semaphore, #tpu.memory_space<semaphore_mem>>) src(%dma_wait3A_66 : memref<16x128xf32, #tpu.memory_space<vmem_shared>>) dst(%dma_wait3A_63 : memref<16x128xf32, #tpu.memory_space<hbm>>)
        tpu.yield
      }) : () -> ()
    } else {
    }
    return
  }
}

module attributes {stable_mosaic.version = 14 : i64} {
  func.func @_mm_body(%arg0: i32, %arg1: i32, %arg2: memref<2000x256xf32, #tpu.memory_space<vmem>>, %arg3: memref<2000x1xf32, #tpu.memory_space<vmem>>, %arg4: memref<256x128xf32, #tpu.memory_space<vmem>>, %arg5: memref<1x2000x128xf32, #tpu.memory_space<vmem>>) attributes {dimension_semantics = [#tpu.dimension_semantics<arbitrary>, #tpu.dimension_semantics<arbitrary>], iteration_bounds = array<i64: 5, 2>, scalar_prefetch = 0 : i64, scratch_operands = 0 : i64, tpu.core_type = #tpu.core_type<tc>, window_params = [{transform_indices = @transform_0, window_bounds = array<i64: 2000, 256>}, {transform_indices = @transform_1, window_bounds = array<i64: 2000, 1>}, {transform_indices = @transform_2, window_bounds = array<i64: 256, 128>}, {transform_indices = @transform_3, window_bounds = array<i64: 1, 2000, 128>}]} {
    %get3A = arith.constant 0 : index
    %get3A_0 = arith.constant 0 : index
    %get3A_1 = vector.load %arg2[%get3A, %get3A_0] : memref<2000x256xf32, #tpu.memory_space<vmem>>, vector<2000x256xf32>
    %get3A_2 = arith.constant 0 : index
    %get3A_3 = arith.constant 0 : index
    %get3A_4 = vector.load %arg3[%get3A_2, %get3A_3] : memref<2000x1xf32, #tpu.memory_space<vmem>>, vector<2000x1xf32>
    %mul3A = vector.broadcast %get3A_4 : vector<2000x1xf32> to vector<2000x256xf32>
    %mul3A_5 = arith.mulf %get3A_1, %mul3A : vector<2000x256xf32>
    %get3A_6 = arith.constant 0 : index
    %get3A_7 = arith.constant 0 : index
    %get3A_8 = vector.load %arg4[%get3A_6, %get3A_7] : memref<256x128xf32, #tpu.memory_space<vmem>>, vector<256x128xf32>
    %dot_general3A = arith.constant dense<0.000000e+00> : vector<2000x128xf32>
    %dot_general3A_9 = tpu.matmul %mul3A_5, %get3A_8, %dot_general3A {dimension_numbers = #tpu.dot_dimension_numbers<[1], [0], [0], [1], [0, 0, 1, 1], [], []>, precision = #tpu.contract_precision<fp32>, transpose_lhs_hint = false} : vector<2000x256xf32>, vector<256x128xf32>, vector<2000x128xf32> -> vector<2000x128xf32>
    %swap3A = arith.constant 0 : index
    %swap3A_10 = arith.constant 0 : index
    %swap3A_11 = arith.constant 0 : index
    %swap3A_12 = vector.load %arg5[%swap3A, %swap3A_10, %swap3A_11] : memref<1x2000x128xf32, #tpu.memory_space<vmem>>, vector<1x2000x128xf32>
    %swap3A_13 = vector.shape_cast %swap3A_12 : vector<1x2000x128xf32> to vector<2000x128xf32>
    %swap3A_14 = vector.shape_cast %dot_general3A_9 : vector<2000x128xf32> to vector<1x2000x128xf32>
    tpu.vector_store %arg5[%swap3A, %swap3A_10, %swap3A_11], %swap3A_14 {strides = array<i32>} : memref<1x2000x128xf32, #tpu.memory_space<vmem>>, vector<1x2000x128xf32>,
    return
  }
  func.func @transform_0(%arg0: i32, %arg1: i32) -> (i32, i32) {
    %c0_i32 = arith.constant 0 : i32
    %c0_i32_0 = arith.constant 0 : i32
    return %arg0, %c0_i32 : i32, i32
  }
  func.func @transform_1(%arg0: i32, %arg1: i32) -> (i32, i32) {
    %c0_i32 = arith.constant 0 : i32
    %c0_i32_0 = arith.constant 0 : i32
    return %arg0, %c0_i32 : i32, i32
  }
  func.func @transform_2(%arg0: i32, %arg1: i32) -> (i32, i32) {
    %c0_i32 = arith.constant 0 : i32
    %c0_i32_0 = arith.constant 0 : i32
    return %c0_i32, %arg1 : i32, i32
  }
  func.func @transform_3(%arg0: i32, %arg1: i32) -> (i32, i32, i32) {
    %c0_i32 = arith.constant 0 : i32
    %c0_i32_0 = arith.constant 0 : i32
    return %arg1, %arg0, %c0_i32 : i32, i32, i32
  }
}

module attributes {stable_mosaic.version = 14 : i64} {
  func.func @_ep_body(%arg0: i32, %arg1: memref<2x2000x128xf32, #tpu.memory_space<vmem>>, %arg2: memref<2000x1xf32, #tpu.memory_space<vmem>>, %arg3: memref<1x256xf32, #tpu.memory_space<vmem>>, %arg4: memref<2000x256xf32, #tpu.memory_space<vmem>>) attributes {dimension_semantics = [#tpu.dimension_semantics<arbitrary>], iteration_bounds = array<i64: 5>, scalar_prefetch = 0 : i64, scratch_operands = 0 : i64, tpu.core_type = #tpu.core_type<tc>, window_params = [{transform_indices = @transform_0, window_bounds = array<i64: 2, 2000, 128>}, {transform_indices = @transform_1, window_bounds = array<i64: 2000, 1>}, {pipeline_mode = #tpu.pipeline_mode<synchronous>, transform_indices = @transform_2, window_bounds = array<i64: 1, 256>}, {transform_indices = @transform_3, window_bounds = array<i64: 2000, 256>}]} {
    %get3A = arith.constant 0 : index
    %get3A_0 = arith.constant 0 : index
    %get3A_1 = arith.constant 0 : index
    %get3A_2 = vector.load %arg1[%get3A, %get3A_0, %get3A_1] : memref<2x2000x128xf32, #tpu.memory_space<vmem>>, vector<1x2000x128xf32>
    %get3A_3 = vector.shape_cast %get3A_2 : vector<1x2000x128xf32> to vector<2000x128xf32>
    %get3A_4 = arith.constant 1 : index
    %get3A_5 = arith.constant 0 : index
    %get3A_6 = arith.constant 0 : index
    %get3A_7 = vector.load %arg1[%get3A_4, %get3A_5, %get3A_6] : memref<2x2000x128xf32, #tpu.memory_space<vmem>>, vector<1x2000x128xf32>
    %get3A_8 = vector.shape_cast %get3A_7 : vector<1x2000x128xf32> to vector<2000x128xf32>
    %concatenate3A = tpu.concatenate %get3A_3, %get3A_8 in 1 : vector<2000x128xf32>, vector<2000x128xf32> -> vector<2000x256xf32>
    %get3A_9 = arith.constant 0 : index
    %get3A_10 = arith.constant 0 : index
    %get3A_11 = vector.load %arg2[%get3A_9, %get3A_10] : memref<2000x1xf32, #tpu.memory_space<vmem>>, vector<2000x1xf32>
    %mul3A = vector.broadcast %get3A_11 : vector<2000x1xf32> to vector<2000x256xf32>
    %mul3A_12 = arith.mulf %concatenate3A, %mul3A : vector<2000x256xf32>
    %get3A_13 = arith.constant 0 : index
    %get3A_14 = arith.constant 0 : index
    %get3A_15 = vector.load %arg3[%get3A_13, %get3A_14] : memref<1x256xf32, #tpu.memory_space<vmem>>, vector<1x256xf32>
    %add3A = vector.broadcast %get3A_15 : vector<1x256xf32> to vector<2000x256xf32>
    %add3A_16 = arith.addf %mul3A_12, %add3A : vector<2000x256xf32>
    %max3A = arith.constant 0.000000e+00 : f32
    %max3A_17 = vector.broadcast %max3A : f32 to vector<2000x256xf32>
    %max3A_18 = arith.maximumf %add3A_16, %max3A_17 : vector<2000x256xf32>
    %swap3A = arith.constant 0 : index
    %swap3A_19 = arith.constant 0 : index
    %swap3A_20 = vector.load %arg4[%swap3A, %swap3A_19] : memref<2000x256xf32, #tpu.memory_space<vmem>>, vector<2000x256xf32>
    tpu.vector_store %arg4[%swap3A, %swap3A_19], %max3A_18 {strides = array<i32>} : memref<2000x256xf32, #tpu.memory_space<vmem>>, vector<2000x256xf32>,
    return
  }
  func.func @transform_0(%arg0: i32) -> (i32, i32, i32) {
    %c0_i32 = arith.constant 0 : i32
    %c0_i32_0 = arith.constant 0 : i32
    %c0_i32_1 = arith.constant 0 : i32
    return %c0_i32, %arg0, %c0_i32_0 : i32, i32, i32
  }
  func.func @transform_1(%arg0: i32) -> (i32, i32) {
    %c0_i32 = arith.constant 0 : i32
    %c0_i32_0 = arith.constant 0 : i32
    return %arg0, %c0_i32 : i32, i32
  }
  func.func @transform_2(%arg0: i32) -> (i32, i32) {
    %c0_i32 = arith.constant 0 : i32
    %c0_i32_0 = arith.constant 0 : i32
    %c0_i32_1 = arith.constant 0 : i32
    return %c0_i32, %c0_i32_0 : i32, i32
  }
  func.func @transform_3(%arg0: i32) -> (i32, i32) {
    %c0_i32 = arith.constant 0 : i32
    %c0_i32_0 = arith.constant 0 : i32
    return %arg0, %c0_i32 : i32, i32
  }
}

</mosaic_0001>

<sc_bundles>
// kernel: kernel.6.cloned.1.call-start
scs
__scs_entry_jumppad:
0x0: {  	(pc) =	sbr.rel $0x88, $3  }
0x1: {  	(tag) =	ssettag $0x0;
	lr =	simm.s32 $0x1  }
0x2: {  	[smem:$0x3F9D] =	sst lr;
	_ =	strace $0xD0000000  }
0x3: {  	_ = 	snop  }
0x4: {  	_ = 	snop  }
0x5: {  	_ = 	snop  }
0x6: {  	_ = 	snop  }
0x7: {  	_ = 	snop  }
__scs_overlays_trampoline_lowered:
0x8: {  	[smem:$0x3FAC] =	sst s0  }
0x9: {  	[smem:$0x3FAD] =	sst s1  }
0xa: {  	[smem:$0x3FAE] =	sst s2  }
0xb: {  	[smem:$0x3FAF] =	sst s3  }
0xc: {  	[smem:$0x3FB0] =	sst s4  }
0xd: {  	[smem:$0x3FB1] =	sst s5  }
0xe: {  	[smem:$0x3FB2] =	sst s6  }
0xf: {  	[smem:$0x3FB3] =	sst s7  }
0x10: {  	[smem:$0x3FB4] =	sst s8  }
0x11: {  	[smem:$0x3FB5] =	sst s9;
	s0 =	simm.s32 @!p0 $0x0  }
0x12: {  	s1 =	sld [smem:$0x3F9B];
	s0 =	simm.s32 @p0 $0x1  }
0x13: {  	[smem:$0x3FB6] =	sst s0;
	s0 =	simm.s32 @!p1 $0x0  }
0x14: {  	s2 =	sld [smem:$0x3F9A];
	s0 =	simm.s32 @p1 $0x1  }
0x15: {  	[smem:$0x3FB7] =	sst s0;
	s0 =	simm.s32 @!p2 $0x0  }
0x16: {  	s3 =	sld [smem:$0x3FDB];
	s0 =	simm.s32 @p2 $0x1  }
0x17: {  	s4 =	simm.s32 $0x1BF5;
	[smem:$0x3FB9] =	sst s0  }
0x18: {  	s0 =	sld [smem:$0x3F9C];
	_ =	swait.ge [sflag:s4], $0x0  }
0x19: {  	s7 =	sld [smem:$0x3F9D]  }
0x1a: {  	s8 =	sadd.s32 $0xFFFFE003, lr  }
0x1b: {  	s9 =	sadd.s32 $0xFFFFFEF7, lr;
	s5 =	simm.s32 $0xFFFFFFFF;
	p2 =	slt.u32 s8, $0xFFFFF086  }
0x1c: {  	p1 =	slt.u32 s9, $0xF7A;
	s5 =	simm.s32 @!p2 $0x0  }
0x1d: {  	s5 =	simm.s32 @p1 $0x1;
	p0 =	seq.s32 s7, s2  }
0x1e: {  	s7 =	smul.u32 @!p0 $0xF7A, s2;
	p2 =	seq.s32 @!p0 s5, $0x0  }
0x1f: {  	s9 =	smul.u32 $0xF7A, s1;
	s8 =	simm.s32 @!p0 $0x1BF5;
	p2 =	por !p2, p0  }
0x20: {  	[sflag:s8] =	ssyncset.s32 @!p0 $0xFFFFF086;
	s6 =	sadd.s32 @!p0 s3, s7;
	s7 =	simm.s32 @!p0 $0x108  }
0x21: {  	s3 =	sadd.s32 s3, s9;
	s6 =	sadd.s32 @!p0 $0x88, s6;
	s7 =	simm.s32 @p2 $0x1082  }
0x22: {  	[simem:s7], [sflag:s8] =	dma.local @!p0 [hbm:s6], $0xF7A  }
0x23: {  	s9 =	sor.u32 $0xD0000000, s2;
	s6 =	simm.s32 $0x108;
	_ =	swait.ge @!p0 [sflag:s8], $0x0  }
0x24: {  	s3 =	sadd.s32 $0x88, s3;
	s6 =	simm.s32 @!p1 $0x1082;
	[sflag:s4] =	ssyncset.s32 $0xFFFFF086  }
0x25: {  	[simem:s6], [sflag:s4] =	dma.local [hbm:s3], $0xF7A  }
0x26: {  	[smem:$0x3F9D] =	sst s1;
	(tag) =	ssettag s2;
	_ =	strace s9  }
0x27: {  	s1 =	sld [smem:$0x3FAD]  }
0x28: {  	s2 =	sld [smem:$0x3FAE]  }
0x29: {  	s4 =	sld [smem:$0x3FB0]  }
0x2a: {  	p0 =	seq.s32 s5, $0x0;
	s5 =	sld [smem:$0x3FB1]  }
0x2b: {  	s6 =	sld [smem:$0x3FB2]  }
0x2c: {  	s7 =	sld [smem:$0x3FB3]  }
0x2d: {  	s3 =	simm.s32 $0x108;
	s8 =	sld [smem:$0x3FB4]  }
0x2e: {  	s3 =	simm.s32 @!p0 $0x1082;
	s9 =	sld [smem:$0x3FB5]  }
0x2f: {  	lr =	sadd.s32 s0, s3;
	s0 =	sld [smem:$0x3FAC]  }
0x30: {  	s3 =	sld [smem:$0x3FAF]  }
0x31: {  	[smem:$0x3FB8] =	sst s10  }
0x32: {  	s10 =	sld [smem:$0x3FB6];
	_ =	sdelay $0x3  }
0x33: {  	p0 =	seq.s32 s10, $0x1;
	s10 =	sld [smem:$0x3FB8];
	_ =	sdelay $0x3  }
0x34: {  	[smem:$0x3FB8] =	sst s10  }
0x35: {  	s10 =	sld [smem:$0x3FB7];
	_ =	sdelay $0x3  }
0x36: {  	p1 =	seq.s32 s10, $0x1;
	s10 =	sld [smem:$0x3FB8];
	_ =	sdelay $0x3  }
0x37: {  	[smem:$0x3FB8] =	sst s10  }
0x38: {  	s10 =	sld [smem:$0x3FB9]  }
0x39: {  	_ = 	snop;
	(pc) =	sbr.ind lr, $3  }
0x3a: {  	_ = 	snop  }
0x3b: {  	_ = 	snop  }
0x3c: {  	p2 =	seq.s32 s10, $0x1;
	s10 =	sld [smem:$0x3FB8]  }
0x3d: {  	_ =	shalt  }
0x3e: {  	_ =	shalt  }
0x3f: {  	_ =	shalt  }
0x40: {  	_ =	shalt  }
0x41: {  	_ =	shalt  }
0x42: {  	_ =	shalt  }
0x43: {  	_ =	shalt  }
0x44: {  	_ =	shalt  }
0x45: {  	_ =	shalt  }
0x46: {  	_ =	shalt  }
0x47: {  	_ =	shalt  }
0x48: {  	_ =	shalt  }
0x49: {  	_ =	shalt  }
0x4a: {  	_ =	shalt  }
0x4b: {  	_ =	shalt  }
0x4c: {  	_ =	shalt  }
0x4d: {  	_ =	shalt  }
0x4e: {  	_ =	shalt  }
0x4f: {  	_ =	shalt  }
0x50: {  	_ =	shalt  }
0x51: {  	_ =	shalt  }
0x52: {  	_ =	shalt  }
0x53: {  	_ =	shalt  }
0x54: {  	_ =	shalt  }
0x55: {  	_ =	shalt  }
0x56: {  	_ =	shalt  }
0x57: {  	_ =	shalt  }
0x58: {  	_ =	shalt  }
0x59: {  	_ =	shalt  }
0x5a: {  	_ =	shalt  }
0x5b: {  	_ =	shalt  }
0x5c: {  	_ =	shalt  }
0x5d: {  	_ =	shalt  }
0x5e: {  	_ =	shalt  }
0x5f: {  	_ =	shalt  }
0x60: {  	_ =	shalt  }
0x61: {  	_ =	shalt  }
0x62: {  	_ =	shalt  }
0x63: {  	_ =	shalt  }
0x64: {  	_ =	shalt  }
0x65: {  	_ =	shalt  }
0x66: {  	_ =	shalt  }
0x67: {  	_ =	shalt  }
0x68: {  	_ =	shalt  }
0x69: {  	_ =	shalt  }
0x6a: {  	_ =	shalt  }
0x6b: {  	_ =	shalt  }
0x6c: {  	_ =	shalt  }
0x6d: {  	_ =	shalt  }
0x6e: {  	_ =	shalt  }
0x6f: {  	_ =	shalt  }
0x70: {  	_ =	shalt  }
0x71: {  	_ =	shalt  }
0x72: {  	_ =	shalt  }
0x73: {  	_ =	shalt  }
0x74: {  	_ =	shalt  }
0x75: {  	_ =	shalt  }
0x76: {  	_ =	shalt  }
0x77: {  	_ =	shalt  }
0x78: {  	_ =	shalt  }
0x79: {  	_ =	shalt  }
0x7a: {  	_ =	shalt  }
0x7b: {  	_ =	shalt  }
0x7c: {  	_ =	shalt  }
0x7d: {  	_ =	shalt  }
0x7e: {  	_ =	shalt  }
0x7f: {  	_ =	shalt  }
0x80: {  	_ =	shalt  }
0x81: {  	_ =	shalt  }
0x82: {  	_ =	shalt  }
0x83: {  	_ =	shalt  }
0x84: {  	_ =	shalt  }
0x85: {  	_ =	shalt  }
0x86: {  	_ =	shalt  }
0x87: {  	_ =	shalt  }
.Lfunc_end0:
.L_simem_size_0:
called_computation_lowered:
.L_overlay_start_0:
0x88: {  	s2 =	sld [smem:$0x3FD9]  }
0x89: {  	s3 =	sld [smem:$0x3FFE];
	_ =	sdelay $0x1  }
0x8a: {  	s1 =	srdreg.scid  }
0x8b: {  	s0 =	sand.u32 $0x1, s1  }
0x8c: {  	s17 =	sshll.u32 s0, $0xA;
	s2 =	sadd.s32 s3, s2  }
0x8d: {  	s2 =	sadd.s32 s2, s17  }
0x8e: {  	[smem:$0x3FC4] =	sst s2  }
0x8f: {  	_ = 	snop  }
0x90: {  	s2 =	sld [smem:$0x3FD0];
	(tm) =	ssettm $0x1  }
0x91: {  	s18 =	sld [smem:$0x3FFB];
	_ =	sdelay $0x3  }
0x92: {  	_ =	strace s18  }
0x93: {  	s3 =	sld [smem:$0x3FFC];
	_ =	sdelay $0x3  }
0x94: {  	_ =	strace s3  }
0x95: {  	s3 =	sld [smem:$0x3FFD];
	_ =	sdelay $0x3  }
0x96: {  	_ =	strace s3  }
0x97: {  	_ =	strace $0x8FFFFFFF  }
0x98: {  	s19 =	sld [smem:$0x3FDB];
	_ =	sdelay $0x1  }
0x99: {  	s4 =	simm.s32 $_scs_section_size  }
0x9a: {  	s5 =	simm.s32 $_size__tile_overlayer_lowered;
	s6 =	simm.s32 $_tile_overlayer_lowered  }
0x9b: {  	s22 =	simm.s32 $0x1BFF;
	s21 =	sshll.u32 s6, $0x1;
	s3 =	sadd.s32 s4, s19  }
0x9c: {  	s7 =	simm.s32 $0x0;
	s20 =	sshll.u32 s5, $0x1;
	s5 =	sadd.s32 s21, s3  }
0x9d: {  	[timem:s7], [sflag:s22] =	dma.local [hbm:s5], s20  }
0x9e: {  	_ =	swait.ge [sflag:s22], s20  }
0x9f: {  	s4 =	ssub.s32 $0x0, s20;
	[sflag:s22] =	ssyncset.done $0x0  }
0xa0: {  	[sflag:s22] =	ssyncadd.s32 s4;
	_ =	sdelay $0x1  }
0xa1: {  	s23 =	simm.s32 $0x1B8B  }
0xa2: {  	_ =	swait.ge [sflag:s23], $0x1  }
0xa3: {  	[sflag:s23] =	ssyncset.done $0x0  }
0xa4: {  	s25 =	simm.s32 $0x1B8E;
	s24 =	sld [smem:$0x3FFE];
	[sflag:s23] =	ssyncadd.s32 $0xFFFFFFFF  }
0xa5: {  	s26 =	simm.s32 $execute0_lowered;
	[smem:$0x3FD2] =	sst s25  }
0xa6: {  	s5 =	sshll.u32 s26, $0x1;
	_ =	strace $0x80000046;
	[dreg:$0x1] =	wrdreg $0xFFFFFFFF  }
0xa7: {  	s28 =	simm.s32 $_size_execute0_lowered;
	s3 =	sadd.s32 s3, s5;
	[dreg:$0x0] =	wrdreg $0x0  }
0xa8: {  	s5 =	sshll.u32 s28, $0x1;
	[dreg:$0x2] =	wrdreg s3  }
0xa9: {  	[dreg:$0x3] =	wrdreg s5  }
0xaa: {  	[dreg:$0x4] =	wrdreg $0xC0  }
0xab: {  	_ =	task [dreg:s7], $0x5FFFF  }
0xac: {  	[dreg:$0x1] =	wrdreg $0xFFFFFFFF  }
0xad: {  	[dreg:$0x0] =	wrdreg $0x60  }
0xae: {  	[dreg:$0x2] =	wrdreg s24  }
0xaf: {  	[dreg:$0x3] =	wrdreg s2  }
0xb0: {  	[dreg:$0x4] =	wrdreg $0x41000  }
0xb1: {  	[dreg:$0x5] =	wrdreg $0x9  }
0xb2: {  	_ =	task.clear_ibuf [dreg:s7], $0x6FFFF;
	_ =	strace $0x90000046  }
0xb3: {  	s29 =	simm.s32 $0x9;
	_ =	strace $0x80000048  }
0xb4: {  	_ =	swait.ge [sflag:s29], $0x1  }
0xb5: {  	[sflag:s29] =	ssyncadd.s32 $0xFFFFFFFF  }
0xb6: {  	_ =	strace $0x90000048  }
0xb7: {  	_ =	sfence  }
0xb8: {  	s30 =	sld [smem:$0x0];
	_ =	sdelay $0x2  }
0xb9: {  	s31 =	sshll.u32 s1, $0xD;
	s1 =	sshrl.u32 s1, $0x2  }
0xba: {  	s3 =	sand.u32 $0x4000, s31;
	s1 =	sadd.s32 s1, s30  }
0xbb: {  	s0 =	sor.u32 s3, s0;
	s1 =	sshll.u32 s1, $0x11  }
0xbc: {  	s0 =	sor.u32 s1, s0  }
0xbd: {  	s0 =	sadd.s32 $0x8F2B, s0  }
0xbe: {  	[sflag:s0] =	ssyncadd.remote.s32 $0x1  }
0xbf: {  	_ =	sfence.sel $0xFFFF  }
0xc0: {  	[dreg:$0x0] =	wrdreg $0xFFFFFFFF;
	(pc) =	sbr.abs _section_cstart, $3  }
0xc1: {  	[dreg:$0x1] =	wrdreg $0xFFFFFFFF  }
0xc2: {  	_ =	task.clear_ibuf [dreg:s7], $0x2FFFF;
	_ =	strace $0x9FFFFFFF  }
0xc3: {  	(tm) =	ssettm $0x7FFFFFFF  }
tec
execute0_lowered:
.L_overlay_start_1:
0x0: {  	(tag) =	ssettag $0x1  }
0x1: {  	s7 =	rddreg [dreg:$0x0]  }
0x2: {  	s12 =	rddreg [dreg:$0x1]  }
0x3: {  	s1 =	rddreg [dreg:$0x2]  }
0x4: {  	s2 =	simm.s32 $0x0;
	s23 =	stileid.u32;
	s4 =	srdreg.scid  }
0x5: {  	s20 =	simm.s32 $0x80;
	s21 =	simm.s32 $0x1;
	s22 =	simm.s32 $0x2  }
0x6: {  	[smem:$0x7FF] =	sst s2;
	s3 =	smul.u32 $0x2700, s23;
	s13 =	sadd.s32 $0x800, s7  }
0x7: {  	s11 =	sand.u32 $0x1, s4;
	s5 =	smul.u32 $0x4E000, s23;
	s4 =	sadd.s32 $0x5800, s7  }
0x8: {  	s29 =	sshll.u32 s23, $0x6;
	s18 =	sadd.s32 $0x138000, s1;
	s31 =	ssub.s32 $0x280, s23  }
0x9: {  	s19 =	sshll.u32 s23, $0x4;
	p0 =	sne.s32 s23, $0xF;
	s10 =	smul.u32 $0x271, s11  }
0xa: {  	p1 =	sne.s32 s23, $0x0;
	_ =	strace $0x80000047;
	s15 =	smul.u32 $0x2710, s11  }
0xb: {  	s8 =	ssub.s32 $0x2, s11;
	s17 =	smul.u32 $0x27100, s11;
	s18 =	sshrl.u32 @!p0 s18, $0x3  }
0xc: {  	s6 =	sadd.s32 s3, s7;
	s9 =	sshrl.u32 s8, $0x1;
	s5 =	sshrl.u32 s5, $0x2  }
0xd: {  	s7 =	sadd.s32 $0x2D000, s7;
	s14 =	ssub.s32 s8, s9;
	s16 =	sadd.s32 s5, s1  }
0xe: {  	s5 =	sadd.s32 $0x6000, s6;
	s6 =	sor.u32 $0x1C03, s29;
	s30 =	sadd.s32 s23, s10  }
0xf: {  	s9 =	sshrl.u32 s31, $0x4;
	s15 =	sadd.s32 s15, s13;
	s12 =	sadd.s32 s12, s17  }
0x10: {  	s17 =	simm.s32 $0x3;
	s23 =	simm.s32 $0x0;
	s8 =	sshll.u32 s30, $0x4  }
0x11: {  	s11 =	sadd.s32 $0xFFFFFFFF, s9;
	s15 =	sadd.s32 s19, s15;
	s16 =	sshrl.u32 s16, $0x3  }
0x12: {  	s19 =	simm.s32 $0x100;
	s8 =	sadd.s32 s13, s8;
	s13 =	smax.u32 s14, $0x1  }
0x13: {  	s15 =	sadd.s32 $0x400, s15;
	s10 =	sadd.s32 $0x100, s8;
	s14 =	sadd.s32 $0x200, s8  }
.LBB2_1:
0x14: {  	[spmem:s16], [sflag:s6] =	dma.local [hbm:s5], $0x2700  }
0x15: {  	_ =	swait.ge [sflag:s17], $0x2700  }
0x16: {  	[sflag:s17] =	ssyncset.done $0x0  }
0x17: {  	s24 =	simm.s32 @!p0 $0x3;
	[sflag:s17] =	ssyncadd.s32 $0xFFFFD900  }
0x18: {  	[spmem:s18], [sflag:s6] =	dma.local @!p0 [hbm:s7], $0x100  }
0x19: {  	_ =	swait.ge @!p0 [sflag:s24], $0x100  }
0x1a: {  	[sflag:s24] =	ssyncset.done @!p0 $0x0  }
0x1b: {  	[sflag:s24] =	ssyncadd.s32 @!p0 $0xFFFFFF00  }
0x1c: {  	[tilespmem:s19], [sflag:$0x3] =	stream.linear.gather [hbm4b:s4+s2], $0x4000, $0x38;
	[tilespmem:$0x17980] =	vst v63  }
0x1d: {  	_ =	swait.ge [sflag:s17], $0x4000  }
0x1e: {  	[sflag:s17] =	ssyncset.done $0x0  }
0x1f: {  	[sflag:s17] =	ssyncadd.s32 $0xFFFFC000  }
0x20: {  	[bflag:$0x0] =	sbarrier.arrive $0xFFFF  }
0x21: {  	[tilespmem:s2], [sflag:$0x1] =	stream.linear.gather [hbm4b:s8+s2], $0x80, $0x38;
	[tilespmem:$0x17980] =	vst v63  }
0x22: {  	_ = 	snop  }
0x23: {  	[tilespmem:s20], [sflag:$0x2] =	stream.linear.gather [hbm4b:s10+s2], $0x80, $0x38;
	[tilespmem:$0x17980] =	vst v63  }
0x24: {  	_ =	swait.ge [sflag:s21], $0x80  }
0x25: {  	[sflag:s21] =	ssyncset.done $0x0  }
0x26: {  	[sflag:s21] =	ssyncadd.s32 $0xFFFFFF80  }
0x27: {  	_ =	swait.ge [sflag:s22], $0x80  }
0x28: {  	[sflag:s22] =	ssyncset.done $0x0  }
0x29: {  	[sflag:s22] =	ssyncadd.s32 $0xFFFFFF80  }
0x2a: {  	[spmem:s1] =	stream.indirect.scatter.add.f32 [tilespmem:s19], [sflag:$0x3], $0x80, s2, s20, $0xb8;
	[tilespmem:$0x17980] =	vst v63  }
0x2b: {  	_ =	swait.ge [sflag:s17], $0x4000  }
0x2c: {  	[sflag:s17] =	ssyncset.done $0x0  }
0x2d: {  	[sflag:s17] =	ssyncadd.s32 $0xFFFFC000  }
0x2e: {  	[tilespmem:s2], [sflag:$0x1] =	stream.linear.gather [hbm4b:s14+s2], $0x80, $0x38;
	[tilespmem:$0x17980] =	vst v63  }
0x2f: {  	_ =	swait.ge [sflag:s21], $0x80  }
0x30: {  	[sflag:s21] =	ssyncset.done $0x0  }
0x31: {  	[sflag:s21] =	ssyncadd.s32 $0xFFFFFF80  }
0x32: {  	[spmem:s1] =	stream.indirect.scatter.add.f32 [tilespmem:s19], [sflag:$0x3], $0x80, s20, s20, $0xb8;
	[tilespmem:$0x17980] =	vst v63  }
0x33: {  	p2 =	sle.u32 s9, $0x3;
	p3 =	sle.u32 s11, $0x2;
	_ =	swait.ge [sflag:s17], $0x4000  }
0x34: {  	s25 =	simm.s32 @!p2 $0x0;
	s26 =	simm.s32 @!p2 $0x80;
	[sflag:s17] =	ssyncset.done $0x0  }
0x35: {  	s28 =	simm.s32 @!p3 $0x2;
	s24 =	sadd.s32 @!p2 $0xFFFFFF00, s15;
	[sflag:s17] =	ssyncadd.s32 $0xFFFFC000  }
0x36: {  	[tilespmem:s26], [sflag:$0x2] =	stream.linear.gather @!p2 [hbm4b:s24+s25], $0x80, $0x38;
	[tilespmem:$0x17980] =	vst v63  }
0x37: {  	_ =	swait.ge @!p3 [sflag:s28], $0x80  }
0x38: {  	[sflag:s28] =	ssyncset.done @!p3 $0x0  }
0x39: {  	s24 =	simm.s32 $0x6;
	s26 =	sadd.s32 $0x200, s15;
	[sflag:s28] =	ssyncadd.s32 @!p3 $0xFFFFFF80  }
0x3a: {  	[spmem:s1] =	stream.indirect.scatter.add.f32 [tilespmem:s19], [sflag:$0x3], $0x80, s2, s20, $0xb8;
	[tilespmem:$0x17980] =	vst v63  }
0x3b: {  	s25 =	smov.u32 s15;
	p3 =	sle.u32 s9, $0x4;
	_ =	swait.ge [sflag:s17], $0x4000  }
.LBB2_2:
0x3c: {  	[sflag:s17] =	ssyncset.done $0x0  }
0x3d: {  	s28 =	simm.s32 @!p3 $0x0;
	s29 =	smov.u32 s24;
	s24 =	sadd.s32 $0x2, s24  }
0x3e: {  	p2 =	sne.s32 s24, $0x2A;
	[sflag:s17] =	ssyncadd.s32 $0xFFFFC000  }
0x3f: {  	[tilespmem:s28], [sflag:$0x1] =	stream.linear.gather @!p3 [hbm4b:s25+s28], $0x80, $0x38;
	[tilespmem:$0x17980] =	vst v63  }
0x40: {  	s25 =	smov.u32 s26;
	_ =	swait.ge [sflag:s21], $0x80  }
0x41: {  	s28 =	sadd.s32 $0xFFFFFFFF, s29;
	[sflag:s21] =	ssyncset.done $0x0  }
0x42: {  	s30 =	sadd.s32 $0xFFFFFFFE, s29;
	p3 =	sge.u32 s28, s9;
	[sflag:s21] =	ssyncadd.s32 $0xFFFFFF80  }
0x43: {  	[spmem:s1] =	stream.indirect.scatter.add.f32 [tilespmem:s19], [sflag:$0x3], $0x80, s20, s20, $0xb8;
	[tilespmem:$0x17980] =	vst v63  }
0x44: {  	s28 =	sadd.s32 @!p3 $0xFFFFFF00, s26;
	s31 =	simm.s32 @!p3 $0x0;
	_ =	swait.ge [sflag:s17], $0x4000  }
0x45: {  	p4 =	sge.u32 s30, s11;
	s0 =	simm.s32 @!p3 $0x80;
	[sflag:s17] =	ssyncset.done $0x0  }
0x46: {  	s30 =	simm.s32 @!p4 $0x2;
	[sflag:s17] =	ssyncadd.s32 $0xFFFFC000  }
0x47: {  	[tilespmem:s0], [sflag:$0x2] =	stream.linear.gather @!p3 [hbm4b:s28+s31], $0x80, $0x38;
	[tilespmem:$0x17980] =	vst v63  }
.Ltmp0:
0x48: {  	_ =	swait.ge @!p4 [sflag:s30], $0x80;
	(pc) =	sbr.rel @p2 .LBB2_2-.Ltmp0, $4  }
0x49: {  	[sflag:s30] =	ssyncset.done @!p4 $0x0  }
0x4a: {  	[sflag:s30] =	ssyncadd.s32 @!p4 $0xFFFFFF80  }
0x4b: {  	[spmem:s1] =	stream.indirect.scatter.add.f32 [tilespmem:s19], [sflag:$0x3], $0x80, s2, s20, $0xb8;
	[tilespmem:$0x17980] =	vst v63  }
0x4c: {  	s26 =	sadd.s32 $0x200, s26;
	p3 =	sge.u32 s29, s9;
	_ =	swait.ge [sflag:s17], $0x4000  }
0x4d: {  	[sflag:s17] =	ssyncset.done $0x0  }
0x4e: {  	s0 =	simm.s32 @!p3 $0x0;
	[sflag:s17] =	ssyncadd.s32 $0xFFFFC000  }
0x4f: {  	[tilespmem:s0], [sflag:$0x1] =	stream.linear.gather @!p3 [hbm4b:s25+s0], $0x80, $0x38;
	[tilespmem:$0x17980] =	vst v63  }
0x50: {  	s24 =	simm.s32 @!p1 $0x100;
	s0 =	simm.s32 @!p1 $0x80  }
0x51: {  	[spmem:s1] =	stream.indirect.scatter.add.f32 @!p1 [tilespmem:s24], [sflag:$0x3], $0x80, s0, s0, $0xb8;
	[tilespmem:$0x17980] =	vst v63  }
0x52: {  	s0 =	simm.s32 @!p1 $0x3  }
0x53: {  	_ =	swait.ge @!p1 [sflag:s0], $0x4000  }
0x54: {  	[sflag:s0] =	ssyncset.done @!p1 $0x0  }
0x55: {  	[sflag:s0] =	ssyncadd.s32 @!p1 $0xFFFFC000  }
0x56: {  	s31 =	sadd.s32 s3, s12;
	[bflag:$0x0] =	sbarrier.arrive $0xFFFF  }
0x57: {  	[hbm:s31], [sflag:s6] =	dma.local [spmem:s16], $0x2700  }
0x58: {  	_ =	swait.ge [sflag:s17], $0x2700  }
0x59: {  	s23 =	sadd.s32 $0x1, s23;
	[sflag:s17] =	ssyncset.done $0x0  }
0x5a: {  	p2 =	sne.s32 s23, s13;
	s0 =	sadd.s32 @!p0 $0x27000, s12;
	[sflag:s17] =	ssyncadd.s32 $0xFFFFD900  }
0x5b: {  	[hbm:s0], [sflag:s6] =	dma.local @!p0 [spmem:s18], $0x100  }
.Ltmp1:
0x5c: {  	_ = 	snop;
	(pc) =	sbr.rel @p2 .LBB2_1-.Ltmp1, $4  }
0x5d: {  	s0 =	simm.s32 @!p0 $0x3  }
0x5e: {  	_ =	swait.ge @!p0 [sflag:s0], $0x100  }
0x5f: {  	[sflag:s0] =	ssyncset.done @!p0 $0x0  }
0x60: {  	[sflag:s0] =	ssyncadd.s32 @!p0 $0xFFFFFF00  }
0x61: {  	_ =	sfence.sel $0x180000  }
0x62: {  	[bflag:$0x0] =	sbarrier.arrive $0xFFFF  }
0x63: {  	_ =	strace $0x90000047  }
0x64: {  	[bflag:$0x2] =	sbarrier.arrive $0xFFFF  }
0x65: {  	s0 =	rddreg [dreg:$0x3]  }
0x66: {  	s0 =	sadd.s32 @!p1 $0x100000, s0  }
0x67: {  	[sflag:s0] =	ssyncadd.tile.s32 @!p1 $0x1;
	_ =	shalt  }
.Lfunc_end2:
_tile_overlayer_lowered:
.L_overlay_start_2:
0x68: {  	(tag) =	ssettag $0x2  }
0x69: {  	s0 =	rddreg [dreg:$0x0];
	s2 =	stileid.u32  }
0x6a: {  	s1 =	rddreg [dreg:$0x1];
	p0 =	sne.s32 s2, $0x0  }
0x6b: {  	s3 =	rddreg [dreg:$0x2];
	[bflag:$0x3] =	sbarrier.arrive $0xFFFF;
	s2 =	simm.s32 @!p0 $0x1C03  }
0x6c: {  	[timem:s3], [sflag:s2] =	dma.local @!p0 [hbm:s0], s1  }
0x6d: {  	s0 =	simm.s32 @!p0 $0x3  }
0x6e: {  	_ =	swait.ge @!p0 [sflag:s0], s1  }
0x6f: {  	s1 =	ssub.s32 @!p0 $0x0, s1;
	[sflag:s0] =	ssyncset.done @!p0 $0x0  }
0x70: {  	[sflag:s0] =	ssyncadd.s32 @!p0 s1  }
0x71: {  	[bflag:$0x3] =	sbarrier.arrive $0xFFFF  }
0x72: {  	_ =	shalt  }

// kernel: kernel.9.cloned.1.call-start
scs
__scs_entry_jumppad:
0x0: {  	(pc) =	sbr.rel $0x88, $3  }
0x1: {  	(tag) =	ssettag $0x0;
	lr =	simm.s32 $0x1  }
0x2: {  	[smem:$0x3F9D] =	sst lr;
	_ =	strace $0xD0000000  }
0x3: {  	_ = 	snop  }
0x4: {  	_ = 	snop  }
0x5: {  	_ = 	snop  }
0x6: {  	_ = 	snop  }
0x7: {  	_ = 	snop  }
__scs_overlays_trampoline_lowered:
0x8: {  	[smem:$0x3FAC] =	sst s0  }
0x9: {  	[smem:$0x3FAD] =	sst s1  }
0xa: {  	[smem:$0x3FAE] =	sst s2  }
0xb: {  	[smem:$0x3FAF] =	sst s3  }
0xc: {  	[smem:$0x3FB0] =	sst s4  }
0xd: {  	[smem:$0x3FB1] =	sst s5  }
0xe: {  	[smem:$0x3FB2] =	sst s6  }
0xf: {  	[smem:$0x3FB3] =	sst s7  }
0x10: {  	[smem:$0x3FB4] =	sst s8  }
0x11: {  	[smem:$0x3FB5] =	sst s9;
	s0 =	simm.s32 @!p0 $0x0  }
0x12: {  	s1 =	sld [smem:$0x3F9B];
	s0 =	simm.s32 @p0 $0x1  }
0x13: {  	[smem:$0x3FB6] =	sst s0;
	s0 =	simm.s32 @!p1 $0x0  }
0x14: {  	s2 =	sld [smem:$0x3F9A];
	s0 =	simm.s32 @p1 $0x1  }
0x15: {  	[smem:$0x3FB7] =	sst s0;
	s0 =	simm.s32 @!p2 $0x0  }
0x16: {  	s3 =	sld [smem:$0x3FDB];
	s0 =	simm.s32 @p2 $0x1  }
0x17: {  	s4 =	simm.s32 $0x1BF5;
	[smem:$0x3FB9] =	sst s0  }
0x18: {  	s0 =	sld [smem:$0x3F9C];
	_ =	swait.ge [sflag:s4], $0x0  }
0x19: {  	s7 =	sld [smem:$0x3F9D]  }
0x1a: {  	s8 =	sadd.s32 $0xFFFFE003, lr  }
0x1b: {  	s9 =	sadd.s32 $0xFFFFFEF7, lr;
	s5 =	simm.s32 $0xFFFFFFFF;
	p2 =	slt.u32 s8, $0xFFFFF086  }
0x1c: {  	p1 =	slt.u32 s9, $0xF7A;
	s5 =	simm.s32 @!p2 $0x0  }
0x1d: {  	s5 =	simm.s32 @p1 $0x1;
	p0 =	seq.s32 s7, s2  }
0x1e: {  	s7 =	smul.u32 @!p0 $0xF7A, s2;
	p2 =	seq.s32 @!p0 s5, $0x0  }
0x1f: {  	s9 =	smul.u32 $0xF7A, s1;
	s8 =	simm.s32 @!p0 $0x1BF5;
	p2 =	por !p2, p0  }
0x20: {  	[sflag:s8] =	ssyncset.s32 @!p0 $0xFFFFF086;
	s6 =	sadd.s32 @!p0 s3, s7;
	s7 =	simm.s32 @!p0 $0x108  }
0x21: {  	s3 =	sadd.s32 s3, s9;
	s6 =	sadd.s32 @!p0 $0x88, s6;
	s7 =	simm.s32 @p2 $0x1082  }
0x22: {  	[simem:s7], [sflag:s8] =	dma.local @!p0 [hbm:s6], $0xF7A  }
0x23: {  	s9 =	sor.u32 $0xD0000000, s2;
	s6 =	simm.s32 $0x108;
	_ =	swait.ge @!p0 [sflag:s8], $0x0  }
0x24: {  	s3 =	sadd.s32 $0x88, s3;
	s6 =	simm.s32 @!p1 $0x1082;
	[sflag:s4] =	ssyncset.s32 $0xFFFFF086  }
0x25: {  	[simem:s6], [sflag:s4] =	dma.local [hbm:s3], $0xF7A  }
0x26: {  	[smem:$0x3F9D] =	sst s1;
	(tag) =	ssettag s2;
	_ =	strace s9  }
0x27: {  	s1 =	sld [smem:$0x3FAD]  }
0x28: {  	s2 =	sld [smem:$0x3FAE]  }
0x29: {  	s4 =	sld [smem:$0x3FB0]  }
0x2a: {  	p0 =	seq.s32 s5, $0x0;
	s5 =	sld [smem:$0x3FB1]  }
0x2b: {  	s6 =	sld [smem:$0x3FB2]  }
0x2c: {  	s7 =	sld [smem:$0x3FB3]  }
0x2d: {  	s3 =	simm.s32 $0x108;
	s8 =	sld [smem:$0x3FB4]  }
0x2e: {  	s3 =	simm.s32 @!p0 $0x1082;
	s9 =	sld [smem:$0x3FB5]  }
0x2f: {  	lr =	sadd.s32 s0, s3;
	s0 =	sld [smem:$0x3FAC]  }
0x30: {  	s3 =	sld [smem:$0x3FAF]  }
0x31: {  	[smem:$0x3FB8] =	sst s10  }
0x32: {  	s10 =	sld [smem:$0x3FB6];
	_ =	sdelay $0x3  }
0x33: {  	p0 =	seq.s32 s10, $0x1;
	s10 =	sld [smem:$0x3FB8];
	_ =	sdelay $0x3  }
0x34: {  	[smem:$0x3FB8] =	sst s10  }
0x35: {  	s10 =	sld [smem:$0x3FB7];
	_ =	sdelay $0x3  }
0x36: {  	p1 =	seq.s32 s10, $0x1;
	s10 =	sld [smem:$0x3FB8];
	_ =	sdelay $0x3  }
0x37: {  	[smem:$0x3FB8] =	sst s10  }
0x38: {  	s10 =	sld [smem:$0x3FB9]  }
0x39: {  	_ = 	snop;
	(pc) =	sbr.ind lr, $3  }
0x3a: {  	_ = 	snop  }
0x3b: {  	_ = 	snop  }
0x3c: {  	p2 =	seq.s32 s10, $0x1;
	s10 =	sld [smem:$0x3FB8]  }
0x3d: {  	_ =	shalt  }
0x3e: {  	_ =	shalt  }
0x3f: {  	_ =	shalt  }
0x40: {  	_ =	shalt  }
0x41: {  	_ =	shalt  }
0x42: {  	_ =	shalt  }
0x43: {  	_ =	shalt  }
0x44: {  	_ =	shalt  }
0x45: {  	_ =	shalt  }
0x46: {  	_ =	shalt  }
0x47: {  	_ =	shalt  }
0x48: {  	_ =	shalt  }
0x49: {  	_ =	shalt  }
0x4a: {  	_ =	shalt  }
0x4b: {  	_ =	shalt  }
0x4c: {  	_ =	shalt  }
0x4d: {  	_ =	shalt  }
0x4e: {  	_ =	shalt  }
0x4f: {  	_ =	shalt  }
0x50: {  	_ =	shalt  }
0x51: {  	_ =	shalt  }
0x52: {  	_ =	shalt  }
0x53: {  	_ =	shalt  }
0x54: {  	_ =	shalt  }
0x55: {  	_ =	shalt  }
0x56: {  	_ =	shalt  }
0x57: {  	_ =	shalt  }
0x58: {  	_ =	shalt  }
0x59: {  	_ =	shalt  }
0x5a: {  	_ =	shalt  }
0x5b: {  	_ =	shalt  }
0x5c: {  	_ =	shalt  }
0x5d: {  	_ =	shalt  }
0x5e: {  	_ =	shalt  }
0x5f: {  	_ =	shalt  }
0x60: {  	_ =	shalt  }
0x61: {  	_ =	shalt  }
0x62: {  	_ =	shalt  }
0x63: {  	_ =	shalt  }
0x64: {  	_ =	shalt  }
0x65: {  	_ =	shalt  }
0x66: {  	_ =	shalt  }
0x67: {  	_ =	shalt  }
0x68: {  	_ =	shalt  }
0x69: {  	_ =	shalt  }
0x6a: {  	_ =	shalt  }
0x6b: {  	_ =	shalt  }
0x6c: {  	_ =	shalt  }
0x6d: {  	_ =	shalt  }
0x6e: {  	_ =	shalt  }
0x6f: {  	_ =	shalt  }
0x70: {  	_ =	shalt  }
0x71: {  	_ =	shalt  }
0x72: {  	_ =	shalt  }
0x73: {  	_ =	shalt  }
0x74: {  	_ =	shalt  }
0x75: {  	_ =	shalt  }
0x76: {  	_ =	shalt  }
0x77: {  	_ =	shalt  }
0x78: {  	_ =	shalt  }
0x79: {  	_ =	shalt  }
0x7a: {  	_ =	shalt  }
0x7b: {  	_ =	shalt  }
0x7c: {  	_ =	shalt  }
0x7d: {  	_ =	shalt  }
0x7e: {  	_ =	shalt  }
0x7f: {  	_ =	shalt  }
0x80: {  	_ =	shalt  }
0x81: {  	_ =	shalt  }
0x82: {  	_ =	shalt  }
0x83: {  	_ =	shalt  }
0x84: {  	_ =	shalt  }
0x85: {  	_ =	shalt  }
0x86: {  	_ =	shalt  }
0x87: {  	_ =	shalt  }
.Lfunc_end0:
.L_simem_size_0:
called_computation.1_lowered:
.L_overlay_start_0:
0x88: {  	s2 =	sld [smem:$0x3FD9]  }
0x89: {  	s3 =	sld [smem:$0x3FFE];
	_ =	sdelay $0x1  }
0x8a: {  	s1 =	srdreg.scid  }
0x8b: {  	s0 =	sand.u32 $0x1, s1  }
0x8c: {  	s17 =	sshll.u32 s0, $0xA;
	s2 =	sadd.s32 s3, s2  }
0x8d: {  	s2 =	sadd.s32 s2, s17  }
0x8e: {  	[smem:$0x3FC4] =	sst s2  }
0x8f: {  	_ = 	snop  }
0x90: {  	s2 =	sld [smem:$0x3FD0];
	(tm) =	ssettm $0x1  }
0x91: {  	s18 =	sld [smem:$0x3FFB];
	_ =	sdelay $0x3  }
0x92: {  	_ =	strace s18  }
0x93: {  	s3 =	sld [smem:$0x3FFC];
	_ =	sdelay $0x3  }
0x94: {  	_ =	strace s3  }
0x95: {  	s3 =	sld [smem:$0x3FFD];
	_ =	sdelay $0x3  }
0x96: {  	_ =	strace s3  }
0x97: {  	_ =	strace $0x8FFFFFFF  }
0x98: {  	s19 =	sld [smem:$0x3FDB];
	_ =	sdelay $0x1  }
0x99: {  	s4 =	simm.s32 $_scs_section_size  }
0x9a: {  	s5 =	simm.s32 $_size__tile_overlayer_lowered;
	s6 =	simm.s32 $_tile_overlayer_lowered  }
0x9b: {  	s22 =	simm.s32 $0x1BFF;
	s21 =	sshll.u32 s6, $0x1;
	s3 =	sadd.s32 s4, s19  }
0x9c: {  	s7 =	simm.s32 $0x0;
	s20 =	sshll.u32 s5, $0x1;
	s5 =	sadd.s32 s21, s3  }
0x9d: {  	[timem:s7], [sflag:s22] =	dma.local [hbm:s5], s20  }
0x9e: {  	_ =	swait.ge [sflag:s22], s20  }
0x9f: {  	s4 =	ssub.s32 $0x0, s20;
	[sflag:s22] =	ssyncset.done $0x0  }
0xa0: {  	[sflag:s22] =	ssyncadd.s32 s4;
	_ =	sdelay $0x1  }
0xa1: {  	s23 =	simm.s32 $0x1B8B  }
0xa2: {  	_ =	swait.ge [sflag:s23], $0x1  }
0xa3: {  	[sflag:s23] =	ssyncset.done $0x0  }
0xa4: {  	s25 =	simm.s32 $0x1B8E;
	s24 =	sld [smem:$0x3FFE];
	[sflag:s23] =	ssyncadd.s32 $0xFFFFFFFF  }
0xa5: {  	s26 =	simm.s32 $execute0_lowered;
	[smem:$0x3FD2] =	sst s25  }
0xa6: {  	s5 =	sshll.u32 s26, $0x1;
	_ =	strace $0x80000049;
	[dreg:$0x1] =	wrdreg $0xFFFFFFFF  }
0xa7: {  	s28 =	simm.s32 $_size_execute0_lowered;
	s3 =	sadd.s32 s3, s5;
	[dreg:$0x0] =	wrdreg $0x0  }
0xa8: {  	s5 =	sshll.u32 s28, $0x1;
	[dreg:$0x2] =	wrdreg s3  }
0xa9: {  	[dreg:$0x3] =	wrdreg s5  }
0xaa: {  	[dreg:$0x4] =	wrdreg $0xC0  }
0xab: {  	_ =	task [dreg:s7], $0x5FFFF  }
0xac: {  	[dreg:$0x1] =	wrdreg $0xFFFFFFFF  }
0xad: {  	[dreg:$0x0] =	wrdreg $0x60  }
0xae: {  	[dreg:$0x2] =	wrdreg s2  }
0xaf: {  	[dreg:$0x3] =	wrdreg s24  }
0xb0: {  	[dreg:$0x4] =	wrdreg $0x82000  }
0xb1: {  	[dreg:$0x5] =	wrdreg $0x9  }
0xb2: {  	_ =	task.clear_ibuf [dreg:s7], $0x6FFFF;
	_ =	strace $0x90000049  }
0xb3: {  	s29 =	simm.s32 $0x9;
	_ =	strace $0x8000004B  }
0xb4: {  	_ =	swait.ge [sflag:s29], $0x1  }
0xb5: {  	[sflag:s29] =	ssyncadd.s32 $0xFFFFFFFF  }
0xb6: {  	_ =	strace $0x9000004B  }
0xb7: {  	_ =	sfence  }
0xb8: {  	s30 =	sld [smem:$0x0];
	_ =	sdelay $0x2  }
0xb9: {  	s31 =	sshll.u32 s1, $0xD;
	s1 =	sshrl.u32 s1, $0x2  }
0xba: {  	s3 =	sand.u32 $0x4000, s31;
	s1 =	sadd.s32 s1, s30  }
0xbb: {  	s0 =	sor.u32 s3, s0;
	s1 =	sshll.u32 s1, $0x11  }
0xbc: {  	s0 =	sor.u32 s1, s0  }
0xbd: {  	s0 =	sadd.s32 $0x8F2B, s0  }
0xbe: {  	[sflag:s0] =	ssyncadd.remote.s32 $0x1  }
0xbf: {  	_ =	sfence.sel $0xFFFF  }
0xc0: {  	[dreg:$0x0] =	wrdreg $0xFFFFFFFF;
	(pc) =	sbr.abs _section_cstart, $3  }
0xc1: {  	[dreg:$0x1] =	wrdreg $0xFFFFFFFF  }
0xc2: {  	_ =	task.clear_ibuf [dreg:s7], $0x2FFFF;
	_ =	strace $0x9FFFFFFF  }
0xc3: {  	(tm) =	ssettm $0x7FFFFFFF  }
tec
execute0_lowered:
.L_overlay_start_1:
0x0: {  	(tag) =	ssettag $0x1  }
0x1: {  	s0 =	rddreg [dreg:$0x0]  }
0x2: {  	s2 =	rddreg [dreg:$0x1]  }
0x3: {  	s1 =	rddreg [dreg:$0x2]  }
0x4: {  	s3 =	simm.s32 $0x0;
	s4 =	srdreg.scid;
	s16 =	stileid.u32  }
0x5: {  	s17 =	simm.s32 $0x7;
	s22 =	simm.s32 $0x0;
	[smem:$0x7FF] =	sst s3  }
0x6: {  	s4 =	sand.u32 $0x1, s4;
	s5 =	sshll.u32 s16, $0x4;
	s7 =	smul.u32 $0x4E000, s16  }
0x7: {  	s31 =	sshll.u32 s16, $0x6;
	s9 =	ssub.s32 $0x4F1, s16;
	p0 =	sne.s32 s16, $0xF  }
0x8: {  	_ =	strace $0x8000004A;
	s6 =	smul.u32 $0x27100, s4;
	s13 =	sadd.s32 s5, s2  }
0x9: {  	s29 =	ssub.s32 $0x2, s4;
	s4 =	smul.u32 $0x2700, s16;
	s9 =	sshrl.u32 s9, $0x4  }
0xa: {  	s8 =	sshrl.u32 s29, $0x1;
	s7 =	sshrl.u32 s7, $0x2;
	s10 =	sadd.s32 $0x2D200, s13  }
0xb: {  	s11 =	sadd.s32 $0x32020, s13;
	s12 =	sadd.s32 $0x2D300, s13;
	s14 =	sadd.s32 $0xFFFFFFFF, s9  }
0xc: {  	s13 =	sadd.s32 $0x32120, s13;
	s2 =	sadd.s32 s6, s2;
	s15 =	ssub.s32 s29, s8  }
0xd: {  	s5 =	sadd.s32 s0, s6;
	s30 =	sadd.s32 s7, s1;
	s7 =	sor.u32 $0x1C07, s31  }
0xe: {  	[dreg:$0x4] =	wrdreg s14;
	s6 =	sadd.s32 s4, s5;
	s8 =	sadd.s32 $0x27000, s5  }
0xf: {  	s14 =	sadd.s32 $0x37000, s2;
	[dreg:$0x5] =	wrdreg s6;
	s6 =	sadd.s32 $0x138000, s1  }
0x10: {  	s15 =	smax.u32 s15, $0x1;
	s16 =	sshrl.u32 s30, $0x3;
	s18 =	sshrl.u32 @!p0 s6, $0x3  }
.LBB2_1:
0x11: {  	s0 =	rddreg [dreg:$0x5]  }
0x12: {  	[spmem:s16], [sflag:s7] =	dma.local [hbm:s0], $0x2700  }
0x13: {  	_ =	swait.ge [sflag:s17], $0x2700  }
0x14: {  	[sflag:s17] =	ssyncset.done $0x0  }
0x15: {  	s0 =	simm.s32 @!p0 $0x7;
	[sflag:s17] =	ssyncadd.s32 $0xFFFFD900  }
0x16: {  	[spmem:s18], [sflag:s7] =	dma.local @!p0 [hbm:s8], $0x100  }
0x17: {  	_ =	swait.ge @!p0 [sflag:s0], $0x100  }
0x18: {  	[sflag:s0] =	ssyncset.done @!p0 $0x0  }
0x19: {  	[sflag:s0] =	ssyncadd.s32 @!p0 $0xFFFFFF00  }
0x1a: {  	[bflag:$0x0] =	sbarrier.arrive $0xFFFF  }
0x1b: {  	[tilespmem:s3], [sflag:$0x1] =	stream.linear.gather [hbm4b:s10+s3], $0x80, $0x38;
	[tilespmem:$0x1BA80] =	vst v63  }
0x1c: {  	s25 =	simm.s32 $0x100;
	p1 =	sle.u32 s9, $0x0  }
0x1d: {  	[tilespmem:s25], [sflag:$0x3] =	stream.linear.gather [hbm4b:s11+s3], $0x80, $0x38;
	[tilespmem:$0x1BA80] =	vst v63  }
0x1e: {  	s26 =	simm.s32 $0x80;
	p1 =	por p1, p1  }
0x1f: {  	[tilespmem:s26], [sflag:$0x2] =	stream.linear.gather [hbm4b:s12+s3], $0x80, $0x38;
	[tilespmem:$0x1BA80] =	vst v63  }
0x20: {  	s30 =	simm.s32 $0x180;
	s0 =	simm.s32 @!p1 $0x1  }
0x21: {  	[tilespmem:s30], [sflag:$0x4] =	stream.linear.gather [hbm4b:s13+s3], $0x80, $0x38;
	[tilespmem:$0x1BA80] =	vst v63  }
0x22: {  	p2 =	por $0x1, $0x1;
	_ =	swait.ge @!p1 [sflag:s0], $0x80  }
0x23: {  	s2 =	simm.s32 @!p2 $0x6;
	s28 =	simm.s32 @!p1 $0x200;
	[sflag:s0] =	ssyncset.done @!p1 $0x0  }
0x24: {  	s25 =	simm.s32 @!p1 $0x80;
	[sflag:s0] =	ssyncadd.s32 @!p1 $0xFFFFFF80;
	s0 =	simm.s32 @!p1 $0x0  }
0x25: {  	[tilespmem:s28], [sflag:$0x5] =	stream.indirect.gather @!p1 [hbm4b:s5+s25], $0x80, s0, s25, $0xb8;
	[tilespmem:$0x1BA80] =	vst v63  }
0x26: {  	_ =	swait.ge @!p2 [sflag:s2], $0x4000  }
0x27: {  	[sflag:s2] =	ssyncset.done @!p2 $0x0  }
0x28: {  	s0 =	simm.s32 @!p2 $0x4;
	[sflag:s2] =	ssyncadd.s32 @!p2 $0xFFFFC000  }
0x29: {  	p3 =	sle.u32 @!p2 s9, $0x1;
	s6 =	simm.s32 @!p2 $0x7;
	_ =	swait.ge @!p2 [sflag:s0], $0x80  }
0x2a: {  	s19 =	simm.s32 @!p2 $0x80;
	s20 =	simm.s32 @!p2 $0x180;
	[sflag:s0] =	ssyncset.done @!p2 $0x0  }
0x2b: {  	p3 =	por p3, p2;
	s2 =	simm.s32 @!p2 $0x4200;
	[sflag:s0] =	ssyncadd.s32 @!p2 $0xFFFFFF80  }
0x2c: {  	[spmem:s1] =	stream.indirect.scatter.add.f32 @!p2 [tilespmem:s2], [sflag:$0x7], $0x80, s20, s19, $0xb8;
	[tilespmem:$0x1BA80] =	vst v63  }
0x2d: {  	s0 =	simm.s32 @!p3 $0x0;
	_ =	swait.ge @!p2 [sflag:s6], $0x4000  }
0x2e: {  	s2 =	sadd.s32 @!p3 $0x0, s10;
	s20 =	simm.s32 @!p3 $0x80;
	[sflag:s6] =	ssyncset.done @!p2 $0x0  }
0x2f: {  	s31 =	rddreg [dreg:$0x4];
	[sflag:s6] =	ssyncadd.s32 @!p2 $0xFFFFC000;
	s6 =	sadd.s32 @!p3 $0x100, s2  }
0x30: {  	[tilespmem:s20], [sflag:$0x2] =	stream.linear.gather @!p3 [hbm4b:s6+s0], $0x80, $0x38;
	[tilespmem:$0x1BA80] =	vst v63  }
0x31: {  	s2 =	sadd.s32 @!p3 $0x4F20, s2;
	p2 =	sle.u32 s31, $0x0;
	s6 =	simm.s32 @!p3 $0x180  }
0x32: {  	[tilespmem:s6], [sflag:$0x4] =	stream.linear.gather @!p3 [hbm4b:s2+s0], $0x80, $0x38;
	[tilespmem:$0x1BA80] =	vst v63  }
0x33: {  	s23 =	simm.s32 $0x200;
	s29 =	simm.s32 $0x400;
	s2 =	simm.s32 @!p2 $0x2  }
0x34: {  	s24 =	simm.s32 $0x4;
	s21 =	simm.s32 @!p1 $0x100;
	_ =	swait.ge @!p2 [sflag:s2], $0x80  }
0x35: {  	s26 =	simm.s32 $0x2;
	s19 =	simm.s32 @!p2 $0x4200;
	[sflag:s2] =	ssyncset.done @!p2 $0x0  }
0x36: {  	s20 =	simm.s32 @!p1 $0x5;
	s6 =	simm.s32 @!p2 $0x80;
	[sflag:s2] =	ssyncadd.s32 @!p2 $0xFFFFFF80  }
0x37: {  	[tilespmem:s19], [sflag:$0x6] =	stream.indirect.gather @!p2 [hbm4b:s5+s6], $0x80, s6, s6, $0xb8;
	[tilespmem:$0x1BA80] =	vst v63  }
0x38: {  	s0 =	simm.s32 @!p1 $0x3;
	p3 =	sle.u32 @!p1 s9, $0x2;
	_ =	swait.ge @!p1 [sflag:s20], $0x4000  }
0x39: {  	p3 =	por p3, p1;
	s2 =	simm.s32 @!p1 $0x7;
	[sflag:s20] =	ssyncset.done @!p1 $0x0  }
0x3a: {  	s19 =	simm.s32 @!p3 $0x100;
	[sflag:s20] =	ssyncadd.s32 @!p1 $0xFFFFC000;
	s20 =	sadd.s32 @!p3 $0x0, s10  }
0x3b: {  	_ =	swait.ge @!p1 [sflag:s0], $0x80;
	s6 =	sadd.s32 @!p3 $0x200, s20;
	s20 =	sadd.s32 @!p3 $0x5020, s20  }
.LBB2_2:
0x3c: {  	[sflag:s0] =	ssyncset.done @!p1 $0x0  }
0x3d: {  	[sflag:s0] =	ssyncadd.s32 @!p1 $0xFFFFFF80  }
0x3e: {  	[spmem:s1] =	stream.indirect.scatter.add.f32 @!p1 [tilespmem:s28], [sflag:$0x7], $0x80, s21, s25, $0xb8;
	[tilespmem:$0x1BA80] =	vst v63  }
0x3f: {  	_ =	swait.ge @!p1 [sflag:s2], $0x4000  }
0x40: {  	p4 =	sge.u32 s26, s9;
	[sflag:s2] =	ssyncset.done @!p1 $0x0  }
0x41: {  	s0 =	simm.s32 @!p3 $0x0;
	[sflag:s2] =	ssyncadd.s32 @!p1 $0xFFFFC000;
	p1 =	por p4, p4  }
0x42: {  	[tilespmem:s0], [sflag:$0x1] =	stream.linear.gather @!p3 [hbm4b:s6+s0], $0x80, $0x38;
	[tilespmem:$0x1BA80] =	vst v63  }
0x43: {  	s30 =	smov.u32 s23;
	s2 =	simm.s32 @!p1 $0x1  }
0x44: {  	[tilespmem:s19], [sflag:$0x3] =	stream.linear.gather @!p3 [hbm4b:s20+s0], $0x80, $0x38;
	[tilespmem:$0x1BA80] =	vst v63  }
0x45: {  	p4 =	seq.s32 s30, $0x0;
	_ =	swait.ge @!p1 [sflag:s2], $0x80  }
0x46: {  	s25 =	simm.s32 @!p1 $0x80;
	s28 =	simm.s32 @!p1 $0x200;
	[sflag:s2] =	ssyncset.done @!p1 $0x0  }
0x47: {  	s0 =	simm.s32 @!p4 $0x6;
	[sflag:s2] =	ssyncadd.s32 @!p1 $0xFFFFFF80;
	s2 =	simm.s32 @!p1 $0x0  }
0x48: {  	[tilespmem:s28], [sflag:$0x5] =	stream.indirect.gather @!p1 [hbm4b:s5+s25], $0x80, s2, s25, $0xb8;
	[tilespmem:$0x1BA80] =	vst v63  }
0x49: {  	_ =	swait.ge @!p4 [sflag:s0], $0x4000  }
0x4a: {  	[sflag:s0] =	ssyncset.done @!p4 $0x0  }
0x4b: {  	s6 =	sadd.s32 @!p4 $0xFFFFFFFF, s24;
	s2 =	simm.s32 @!p4 $0x4;
	[sflag:s0] =	ssyncadd.s32 @!p4 $0xFFFFC000  }
0x4c: {  	p3 =	sge.u32 @!p4 s6, s9;
	s6 =	simm.s32 @!p4 $0x7;
	_ =	swait.ge @!p4 [sflag:s2], $0x80  }
0x4d: {  	s19 =	simm.s32 @!p4 $0x80;
	s20 =	simm.s32 @!p4 $0x180;
	[sflag:s2] =	ssyncset.done @!p4 $0x0  }
0x4e: {  	p3 =	por p3, p4;
	s0 =	simm.s32 @!p4 $0x4200;
	[sflag:s2] =	ssyncadd.s32 @!p4 $0xFFFFFF80  }
0x4f: {  	[spmem:s1] =	stream.indirect.scatter.add.f32 @!p4 [tilespmem:s0], [sflag:$0x7], $0x80, s20, s19, $0xb8;
	[tilespmem:$0x1BA80] =	vst v63  }
0x50: {  	s2 =	sadd.s32 @!p3 s30, s10;
	_ =	swait.ge @!p4 [sflag:s6], $0x4000  }
0x51: {  	s0 =	simm.s32 @!p3 $0x0;
	s20 =	simm.s32 @!p3 $0x80;
	[sflag:s6] =	ssyncset.done @!p4 $0x0  }
0x52: {  	s21 =	rddreg [dreg:$0x4];
	[sflag:s6] =	ssyncadd.s32 @!p4 $0xFFFFC000;
	s6 =	sadd.s32 @!p3 $0x100, s2  }
0x53: {  	[tilespmem:s20], [sflag:$0x2] =	stream.linear.gather @!p3 [hbm4b:s6+s0], $0x80, $0x38;
	[tilespmem:$0x1BA80] =	vst v63  }
0x54: {  	s2 =	sadd.s32 @!p3 $0x4F20, s2;
	p4 =	sge.u32 s26, s21;
	s6 =	simm.s32 @!p3 $0x180  }
0x55: {  	[tilespmem:s6], [sflag:$0x4] =	stream.linear.gather @!p3 [hbm4b:s2+s0], $0x80, $0x38;
	[tilespmem:$0x1BA80] =	vst v63  }
0x56: {  	s23 =	smov.u32 s29;
	s29 =	sadd.s32 $0x200, s29;
	s2 =	simm.s32 @!p4 $0x2  }
0x57: {  	s31 =	smov.u32 s24;
	p2 =	sne.s32 s29, $0x5000;
	_ =	swait.ge @!p4 [sflag:s2], $0x80  }
0x58: {  	s24 =	sadd.s32 $0x2, s24;
	s21 =	simm.s32 @!p1 $0x100;
	[sflag:s2] =	ssyncset.done @!p4 $0x0  }
0x59: {  	s19 =	simm.s32 @!p4 $0x4200;
	s6 =	simm.s32 @!p4 $0x80;
	[sflag:s2] =	ssyncadd.s32 @!p4 $0xFFFFFF80  }
0x5a: {  	[tilespmem:s19], [sflag:$0x6] =	stream.indirect.gather @!p4 [hbm4b:s5+s6], $0x80, s6, s6, $0xb8;
	[tilespmem:$0x1BA80] =	vst v63  }
.Ltmp0:
0x5b: {  	s26 =	sadd.s32 $0xFFFFFFFE, s24;
	s20 =	simm.s32 @!p1 $0x5;
	(pc) =	sbr.rel @p2 .LBB2_2-.Ltmp0, $4  }
0x5c: {  	s0 =	simm.s32 @!p1 $0x3;
	p3 =	sge.u32 @!p1 s31, s9;
	_ =	swait.ge @!p1 [sflag:s20], $0x4000  }
0x5d: {  	p3 =	por p3, p1;
	s2 =	simm.s32 @!p1 $0x7;
	[sflag:s20] =	ssyncset.done @!p1 $0x0  }
0x5e: {  	s19 =	simm.s32 @!p3 $0x100;
	[sflag:s20] =	ssyncadd.s32 @!p1 $0xFFFFC000;
	s20 =	sadd.s32 @!p3 s30, s10  }
0x5f: {  	_ =	swait.ge @!p1 [sflag:s0], $0x80;
	s6 =	sadd.s32 @!p3 $0x200, s20;
	s20 =	sadd.s32 @!p3 $0x5020, s20  }
0x60: {  	[sflag:s0] =	ssyncset.done @!p1 $0x0  }
0x61: {  	[sflag:s0] =	ssyncadd.s32 @!p1 $0xFFFFFF80  }
0x62: {  	[spmem:s1] =	stream.indirect.scatter.add.f32 @!p1 [tilespmem:s28], [sflag:$0x7], $0x80, s21, s25, $0xb8;
	[tilespmem:$0x1BA80] =	vst v63  }
0x63: {  	_ =	swait.ge @!p1 [sflag:s2], $0x4000  }
0x64: {  	p2 =	sge.u32 s26, s9;
	[sflag:s2] =	ssyncset.done @!p1 $0x0  }
0x65: {  	s0 =	simm.s32 @!p3 $0x0;
	[sflag:s2] =	ssyncadd.s32 @!p1 $0xFFFFC000;
	p1 =	por p2, p2  }
0x66: {  	[tilespmem:s0], [sflag:$0x1] =	stream.linear.gather @!p3 [hbm4b:s6+s0], $0x80, $0x38;
	[tilespmem:$0x1BA80] =	vst v63  }
0x67: {  	s2 =	simm.s32 @!p1 $0x1  }
0x68: {  	[tilespmem:s19], [sflag:$0x3] =	stream.linear.gather @!p3 [hbm4b:s20+s0], $0x80, $0x38;
	[tilespmem:$0x1BA80] =	vst v63  }
0x69: {  	p2 =	seq.s32 s23, $0x0;
	_ =	swait.ge @!p1 [sflag:s2], $0x80  }
0x6a: {  	s6 =	simm.s32 @!p1 $0x80;
	s0 =	simm.s32 @!p2 $0x6;
	[sflag:s2] =	ssyncset.done @!p1 $0x0  }
0x6b: {  	s19 =	simm.s32 @!p1 $0x200;
	[sflag:s2] =	ssyncadd.s32 @!p1 $0xFFFFFF80;
	s2 =	simm.s32 @!p1 $0x0  }
0x6c: {  	[tilespmem:s19], [sflag:$0x5] =	stream.indirect.gather @!p1 [hbm4b:s5+s6], $0x80, s2, s6, $0xb8;
	[tilespmem:$0x1BA80] =	vst v63  }
0x6d: {  	_ =	swait.ge @!p2 [sflag:s0], $0x4000  }
0x6e: {  	[sflag:s0] =	ssyncset.done @!p2 $0x0  }
0x6f: {  	s21 =	simm.s32 @!p2 $0x80;
	s20 =	simm.s32 @!p2 $0x4;
	[sflag:s0] =	ssyncadd.s32 @!p2 $0xFFFFC000  }
0x70: {  	s25 =	simm.s32 @!p2 $0x180;
	s2 =	sadd.s32 @!p2 $0xFFFFFFFF, s24;
	_ =	swait.ge @!p2 [sflag:s20], $0x80  }
0x71: {  	p3 =	sge.u32 @!p2 s2, s9;
	s2 =	simm.s32 @!p2 $0x7;
	[sflag:s20] =	ssyncset.done @!p2 $0x0  }
0x72: {  	p3 =	por p3, p2;
	s0 =	simm.s32 @!p2 $0x4200;
	[sflag:s20] =	ssyncadd.s32 @!p2 $0xFFFFFF80  }
0x73: {  	[spmem:s1] =	stream.indirect.scatter.add.f32 @!p2 [tilespmem:s0], [sflag:$0x7], $0x80, s25, s21, $0xb8;
	[tilespmem:$0x1BA80] =	vst v63  }
0x74: {  	s20 =	sadd.s32 @!p3 s23, s10;
	_ =	swait.ge @!p2 [sflag:s2], $0x4000  }
0x75: {  	s0 =	simm.s32 @!p3 $0x0;
	s25 =	simm.s32 @!p3 $0x80;
	[sflag:s2] =	ssyncset.done @!p2 $0x0  }
0x76: {  	s30 =	rddreg [dreg:$0x4];
	[sflag:s2] =	ssyncadd.s32 @!p2 $0xFFFFC000;
	s2 =	sadd.s32 @!p3 $0x100, s20  }
0x77: {  	[tilespmem:s25], [sflag:$0x2] =	stream.linear.gather @!p3 [hbm4b:s2+s0], $0x80, $0x38;
	[tilespmem:$0x1BA80] =	vst v63  }
0x78: {  	p2 =	sge.u32 s26, s30;
	s2 =	sadd.s32 @!p3 $0x4F20, s20;
	s20 =	simm.s32 @!p3 $0x180  }
0x79: {  	[tilespmem:s20], [sflag:$0x4] =	stream.linear.gather @!p3 [hbm4b:s2+s0], $0x80, $0x38;
	[tilespmem:$0x1BA80] =	vst v63  }
0x7a: {  	s0 =	simm.s32 @!p2 $0x2  }
0x7b: {  	_ =	swait.ge @!p2 [sflag:s0], $0x80  }
0x7c: {  	s2 =	simm.s32 @!p2 $0x80;
	[sflag:s0] =	ssyncset.done @!p2 $0x0  }
0x7d: {  	s20 =	simm.s32 @!p2 $0x4200;
	[sflag:s0] =	ssyncadd.s32 @!p2 $0xFFFFFF80;
	s0 =	simm.s32 @!p1 $0x5  }
0x7e: {  	[tilespmem:s20], [sflag:$0x6] =	stream.indirect.gather @!p2 [hbm4b:s5+s2], $0x80, s2, s2, $0xb8;
	[tilespmem:$0x1BA80] =	vst v63  }
0x7f: {  	_ =	swait.ge @!p1 [sflag:s0], $0x4000  }
0x80: {  	[sflag:s0] =	ssyncset.done @!p1 $0x0  }
0x81: {  	s2 =	simm.s32 @!p1 $0x3;
	[sflag:s0] =	ssyncadd.s32 @!p1 $0xFFFFC000  }
0x82: {  	_ =	swait.ge @!p1 [sflag:s2], $0x80  }
0x83: {  	p2 =	sge.u32 @!p1 s24, s9;
	[sflag:s2] =	ssyncset.done @!p1 $0x0  }
0x84: {  	s20 =	simm.s32 @!p1 $0x7;
	s0 =	simm.s32 @!p1 $0x100;
	[sflag:s2] =	ssyncadd.s32 @!p1 $0xFFFFFF80  }
0x85: {  	[spmem:s1] =	stream.indirect.scatter.add.f32 @!p1 [tilespmem:s19], [sflag:$0x7], $0x80, s0, s6, $0xb8;
	[tilespmem:$0x1BA80] =	vst v63  }
0x86: {  	p2 =	por p2, p1;
	_ =	swait.ge @!p1 [sflag:s20], $0x4000  }
0x87: {  	s0 =	sadd.s32 @!p2 s23, s10;
	[sflag:s20] =	ssyncset.done @!p1 $0x0  }
0x88: {  	s6 =	simm.s32 @!p2 $0x0;
	s2 =	sadd.s32 @!p2 $0x200, s0;
	[sflag:s20] =	ssyncadd.s32 @!p1 $0xFFFFC000  }
0x89: {  	[tilespmem:s6], [sflag:$0x1] =	stream.linear.gather @!p2 [hbm4b:s2+s6], $0x80, $0x38;
	[tilespmem:$0x1BA80] =	vst v63  }
0x8a: {  	s0 =	sadd.s32 @!p2 $0x5020, s0;
	s2 =	simm.s32 @!p2 $0x100  }
0x8b: {  	[tilespmem:s2], [sflag:$0x3] =	stream.linear.gather @!p2 [hbm4b:s0+s6], $0x80, $0x38;
	[tilespmem:$0x1BA80] =	vst v63  }
0x8c: {  	s31 =	sadd.s32 s4, s14;
	[bflag:$0x0] =	sbarrier.arrive $0xFFFF  }
0x8d: {  	[hbm:s31], [sflag:s7] =	dma.local [spmem:s16], $0x2700  }
0x8e: {  	_ =	swait.ge [sflag:s17], $0x2700  }
0x8f: {  	s22 =	sadd.s32 $0x1, s22;
	[sflag:s17] =	ssyncset.done $0x0  }
0x90: {  	p1 =	sne.s32 s22, s15;
	s0 =	sadd.s32 @!p0 $0x27000, s14;
	[sflag:s17] =	ssyncadd.s32 $0xFFFFD900  }
0x91: {  	[hbm:s0], [sflag:s7] =	dma.local @!p0 [spmem:s18], $0x100  }
.Ltmp1:
0x92: {  	_ = 	snop;
	(pc) =	sbr.rel @p1 .LBB2_1-.Ltmp1, $4  }
0x93: {  	s0 =	simm.s32 @!p0 $0x7  }
0x94: {  	_ =	swait.ge @!p0 [sflag:s0], $0x100  }
0x95: {  	[sflag:s0] =	ssyncset.done @!p0 $0x0  }
0x96: {  	[sflag:s0] =	ssyncadd.s32 @!p0 $0xFFFFFF00  }
0x97: {  	_ =	sfence.sel $0x180000  }
0x98: {  	[bflag:$0x0] =	sbarrier.arrive $0xFFFF  }
0x99: {  	_ =	strace $0x9000004A  }
0x9a: {  	s0 =	stileid.u32;
	[bflag:$0x2] =	sbarrier.arrive $0xFFFF  }
0x9b: {  	p0 =	sne.s32 s0, $0x0;
	s0 =	rddreg [dreg:$0x3]  }
0x9c: {  	s0 =	sadd.s32 @!p0 $0x100000, s0  }
0x9d: {  	[sflag:s0] =	ssyncadd.tile.s32 @!p0 $0x1;
	_ =	shalt  }
.Lfunc_end2:
_tile_overlayer_lowered:
.L_overlay_start_2:
0x9e: {  	(tag) =	ssettag $0x2  }
0x9f: {  	s0 =	rddreg [dreg:$0x0];
	s2 =	stileid.u32  }
0xa0: {  	s1 =	rddreg [dreg:$0x1];
	p0 =	sne.s32 s2, $0x0  }
0xa1: {  	s3 =	rddreg [dreg:$0x2];
	[bflag:$0x3] =	sbarrier.arrive $0xFFFF;
	s2 =	simm.s32 @!p0 $0x1C07  }
0xa2: {  	[timem:s3], [sflag:s2] =	dma.local @!p0 [hbm:s0], s1  }
0xa3: {  	s0 =	simm.s32 @!p0 $0x7  }
0xa4: {  	_ =	swait.ge @!p0 [sflag:s0], s1  }
0xa5: {  	s1 =	ssub.s32 @!p0 $0x0, s1;
	[sflag:s0] =	ssyncset.done @!p0 $0x0  }
0xa6: {  	[sflag:s0] =	ssyncadd.s32 @!p0 s1  }
0xa7: {  	[bflag:$0x3] =	sbarrier.arrive $0xFFFF  }
0xa8: {  	_ =	shalt  }

</sc_bundles>
